<compile_context>
chip_gen: v7x
topology: tpu7x:2x2x1
jax: 0.10.2.dev20260603
libtpu: 0.0.44.dev20260713+nightly
codegen_flags: <defaults>
</compile_context>

<pallas_src>
import functools

import jax
import jax.numpy as jnp
from jax import lax
from jax.experimental import pallas as pl
from jax.experimental.pallas import tpu as pltpu
from jax.experimental.pallas import tpu_sc as plsc

_N = 10000
_E = 320000
_H = 16
_M = 64
_O = 27

_NC = 2
_NS = 16
_NW = _NC * _NS
_EPT = _E // _NW
_CH = 2000
_NCHUNK = _EPT // _CH
_K = 1
_S = _NCHUNK // _K
_NPAD = 10240
_RPT = _NPAD // _NS
_NPK = _NPAD // 8
_NROW = _N // 8

_mesh = plsc.VectorSubcoreMesh(core_axis_name="c", subcore_axis_name="s")
_sc_params = pltpu.CompilerParams(use_tc_tiling_on_sc=False,
                                  needs_layout_passes=False)


def _newton_rsqrt(d):
    xi = plsc.bitcast(d, jnp.int32)
    y = plsc.bitcast(jnp.int32(0x5F3759DF) - lax.shift_right_logical(xi, 1),
                     jnp.float32)
    for _ in range(3):
        y = y * (1.5 - 0.5 * d * y * y)
    return y


def _scale_rows(rows_ref, rinv_ref):
    @pl.loop(0, _RPT // 16)
    def _(blk):
        rv = rinv_ref.at[pl.ds(blk * 16, 16)][...]

        @pl.loop(0, 16)
        def _(b):
            i = blk * 16 + b
            idxv = jnp.zeros((16,), jnp.int32) + b
            sc = rv.at[idxv].get(mode='promise_in_bounds')
            rows_ref.at[i][...] = rows_ref.at[i][...] * sc


@functools.partial(
    pl.kernel,
    out_type=jax.ShapeDtypeStruct((_NC, _NPAD), jnp.float32),
    mesh=_mesh,
    scratch_types=[
        pltpu.VMEM((_NCHUNK, _CH), jnp.int32),
        pltpu.VMEM((_CH,), jnp.float32),
        pltpu.VMEM((_RPT,), jnp.float32),
        pltpu.VMEM_SHARED((_NPAD,), jnp.float32),
        pltpu.SemaphoreType.DMA,
    ],
    compiler_params=_sc_params,
)
def _deg_kernel(edges_hbm, out_hbm, idx_v, ones_v, stage_v, deg_sh, sem):
    c = lax.axis_index("c")
    s = lax.axis_index("s")
    wid = c * _NS + s
    pltpu.sync_copy(edges_hbm.at[1, wid], idx_v)

    @pl.loop(0, _CH // 16)
    def _(i):
        ones_v.at[pl.ds(i * 16, 16)][...] = jnp.ones((16,), jnp.float32)

    @pl.loop(0, _RPT // 16)
    def _(i):
        stage_v.at[pl.ds(i * 16, 16)][...] = jnp.zeros((16,), jnp.float32)

    pltpu.sync_copy(stage_v, deg_sh.at[pl.ds(s * _RPT, _RPT)])
    plsc.subcore_barrier()

    for ss in range(_S):
        @pl.loop(0, _K)
        def _(j):
            q = ss * _K + j
            pltpu.async_copy(ones_v, deg_sh.at[idx_v.at[q]], sem, add=True)

        @pl.loop(0, _K)
        def _(j):
            q = ss * _K + j
            pltpu.make_async_copy(ones_v, deg_sh.at[idx_v.at[q]], sem).wait()

    plsc.subcore_barrier()
    pltpu.sync_copy(deg_sh.at[pl.ds(s * _RPT, _RPT)], stage_v)
    pltpu.sync_copy(stage_v, out_hbm.at[c, pl.ds(s * _RPT, _RPT)])


@functools.partial(
    pl.kernel,
    out_type=jax.ShapeDtypeStruct((_NC, _NS, _RPT, _H), jnp.float32),
    mesh=_mesh,
    scratch_types=[
        pltpu.VMEM((_NCHUNK, _CH), jnp.int32),
        pltpu.VMEM((_NCHUNK, _CH), jnp.int32),
        pltpu.VMEM((2, _K * _CH, _H), jnp.float32),
        pltpu.VMEM((_RPT, _H), jnp.float32),
        pltpu.VMEM((_RPT,), jnp.float32),
        pltpu.VMEM((_RPT,), jnp.float32),
        pltpu.VMEM((_RPT,), jnp.float32),
        pltpu.VMEM_SHARED((_NPAD, _H), jnp.float32),
        pltpu.VMEM_SHARED((_NPAD, _H), jnp.float32),
        pltpu.SemaphoreType.DMA,
        pltpu.SemaphoreType.DMA,
        pltpu.SemaphoreType.DMA,
        pltpu.SemaphoreType.DMA,
    ],
    compiler_params=_sc_params,
)
def _main_kernel(y_hbm, edges_hbm, degp_hbm, out_hbm,
                 src_v, dst_v, rows_v, stage_v, dga_v, dgb_v, rinv_v,
                 y_sh, agg_sh, gsem0, gsem1, ssem0, ssem1):
    c = lax.axis_index("c")
    s = lax.axis_index("s")
    wid = c * _NS + s
    pltpu.sync_copy(edges_hbm.at[0, wid], src_v)
    pltpu.sync_copy(edges_hbm.at[1, wid], dst_v)
    pltpu.sync_copy(degp_hbm.at[0, pl.ds(s * _RPT, _RPT)], dga_v)
    pltpu.sync_copy(degp_hbm.at[1, pl.ds(s * _RPT, _RPT)], dgb_v)

    @pl.loop(0, _RPT // 16)
    def _(i):
        sl = pl.ds(i * 16, 16)
        d = jnp.maximum(dga_v.at[sl][...] + dgb_v.at[sl][...], 1.0)
        rinv_v.at[sl][...] = _newton_rsqrt(d)

    @pl.loop(0, _RPT)
    def _(i):
        stage_v.at[i][...] = jnp.zeros((16,), jnp.float32)

    pltpu.sync_copy(stage_v, agg_sh.at[pl.ds(s * _RPT, _RPT), :])

    pltpu.sync_copy(y_hbm.at[pl.ds(s * _RPT, _RPT)], stage_v)
    _scale_rows(stage_v, rinv_v)
    pltpu.sync_copy(stage_v, y_sh.at[pl.ds(s * _RPT, _RPT), :])
    plsc.subcore_barrier()

    gsems = (gsem0, gsem1)
    ssems = (ssem0, ssem1)

    def fire_gathers(ss):
        st = ss % 2

        @pl.loop(0, _K)
        def _(j):
            q = ss * _K + j
            pltpu.async_copy(y_sh.at[src_v.at[q]],
                             rows_v.at[st].at[pl.ds(j * _CH, _CH), :],
                             gsems[st])

    def drain_gathers(ss):
        st = ss % 2

        @pl.loop(0, _K)
        def _(j):
            q = ss * _K + j
            pltpu.make_async_copy(y_sh.at[src_v.at[q]],
                                  rows_v.at[st].at[pl.ds(j * _CH, _CH), :],
                                  gsems[st]).wait()

    def fire_scatters(ss):
        st = ss % 2

        @pl.loop(0, _K)
        def _(j):
            q = ss * _K + j
            pltpu.async_copy(rows_v.at[st].at[pl.ds(j * _CH, _CH), :],
                             agg_sh.at[dst_v.at[q]], ssems[st], add=True)

    def drain_scatters(ss):
        st = ss % 2

        @pl.loop(0, _K)
        def _(j):
            q = ss * _K + j
            pltpu.make_async_copy(rows_v.at[st].at[pl.ds(j * _CH, _CH), :],
                                  agg_sh.at[dst_v.at[q]], ssems[st]).wait()

    fire_gathers(0)
    for ss in range(_S):
        drain_gathers(ss)
        if ss + 1 < _S:
            fire_gathers(ss + 1)
        fire_scatters(ss)
        drain_scatters(ss)

    plsc.subcore_barrier()
    pltpu.sync_copy(agg_sh.at[pl.ds(s * _RPT, _RPT), :], stage_v)
    _scale_rows(stage_v, rinv_v)
    pltpu.sync_copy(stage_v, out_hbm.at[c, s])


def _prep_body(x_ref, w_ref, b_ref, y_ref):
    y = jnp.dot(x_ref[...], w_ref[...], preferred_element_type=jnp.float32)
    y = jnp.maximum(y + b_ref[...], 0.0)
    y_ref[pl.ds(_NPK - 32, 32), :] = jnp.zeros((32, 128), jnp.float32)
    y_ref[pl.ds(0, _NROW), :] = y


def _final_body(p_ref, w_ref, b_ref, wo_ref, bo_ref, out_ref):
    p = p_ref[...]
    z = (p[0] + p[1]).reshape(_NPK, 128)
    t = jnp.dot(z, w_ref[...], preferred_element_type=jnp.float32)
    t = jnp.maximum(t + b_ref[...], 0.0)
    rowid = lax.broadcasted_iota(jnp.int32, (_NPK, 1), 0)
    t = jnp.where(rowid < _NROW, t, 0.0)
    ro512 = jnp.sum(t, axis=0, keepdims=True)
    ro = ro512[:, 0:_M]
    for a in range(1, 8):
        ro = ro + ro512[:, a * _M:(a + 1) * _M]
    out_ref[...] = (
        jnp.dot(ro, wo_ref[...], preferred_element_type=jnp.float32)
        + bo_ref[...])


@jax.jit
def _run(node_features, edge_index, W_node, b_node, W_gcn, b_gcn, W_out,
         b_out):
    edges = edge_index.reshape(2, _NW, _NCHUNK, _CH)
    x2 = node_features.reshape(_NROW, 8 * 128)
    eye8 = jnp.eye(8, dtype=jnp.float32)
    W_bd = jnp.kron(eye8, W_node)
    bn_t = jnp.tile(b_node, 8)[None]
    W_bd2 = jnp.kron(eye8, W_gcn)
    bg_t = jnp.tile(b_gcn, 8)[None]

    degp = _deg_kernel(edges)

    y = pl.pallas_call(
        _prep_body,
        out_shape=jax.ShapeDtypeStruct((_NPK, 128), jnp.float32),
    )(x2, W_bd, bn_t)

    part = _main_kernel(y.reshape(_NPAD, _H), edges, degp)
    part = part.reshape(_NC, _NS, _RPT // 8, 128)

    out = pl.pallas_call(
        _final_body,
        out_shape=jax.ShapeDtypeStruct((1, _O), jnp.float32),
    )(part, W_bd2, bg_t, W_out, b_out.reshape(1, _O))
    return out


def kernel(node_features, edge_features, edge_index, W_node, b_node, W_edge,
           b_edge, W_gcn, b_gcn, W_out, b_out):
    return _run(node_features, edge_index, W_node, b_node, W_gcn, b_gcn,
                W_out, b_out)

# --- scband reference (transcript-rebuilt; emitter-appended) ---
"""Pipeline reference for scband-graph-encoder-5394478924643 (READ-ONLY COPY).

The authoritative reference and input builder live on the scoring server;
editing this copy changes nothing except your own understanding.
"""

import jax, jax.numpy as jnp
import numpy as np

N_NODES = 10000
N_EDGES = 320000
D_FEAT = 128
D_EDGE = 4
HIDDEN = 16
MESSAGE_DIM = 64
OUT_UNITS = 27


def setup_inputs(seed: int = 0) -> dict:
    key = jax.random.key(seed)
    ks = jax.random.split(key, 12)
    node_features = jax.random.normal(ks[0], (N_NODES, D_FEAT), dtype=jnp.float32)
    edge_features = jax.random.normal(ks[1], (N_EDGES, D_EDGE), dtype=jnp.float32)
    edge_index = jax.random.randint(ks[2], (2, N_EDGES), 0, N_NODES, dtype=jnp.int64 if jax.config.read('jax_enable_x64') else jnp.int32).astype(jnp.int32)
    # learned params
    W_node = jax.random.normal(ks[3], (D_FEAT, HIDDEN), dtype=jnp.float32) * (1.0 / np.sqrt(D_FEAT))
    b_node = jnp.zeros((HIDDEN,), dtype=jnp.float32)
    W_edge = jax.random.normal(ks[4], (D_EDGE, HIDDEN), dtype=jnp.float32) * (1.0 / np.sqrt(D_EDGE))
    b_edge = jnp.zeros((HIDDEN,), dtype=jnp.float32)
    W_gcn = jax.random.normal(ks[5], (HIDDEN, MESSAGE_DIM), dtype=jnp.float32) * (1.0 / np.sqrt(HIDDEN))
    b_gcn = jnp.zeros((MESSAGE_DIM,), dtype=jnp.float32)
    W_out = jax.random.normal(ks[6], (MESSAGE_DIM, OUT_UNITS), dtype=jnp.float32) * (1.0 / np.sqrt(MESSAGE_DIM))
    b_out = jnp.zeros((OUT_UNITS,), dtype=jnp.float32)
    return {
        'node_features': node_features,
        'edge_features': edge_features,
        'edge_index': edge_index,
        'W_node': W_node, 'b_node': b_node,
        'W_edge': W_edge, 'b_edge': b_edge,
        'W_gcn': W_gcn, 'b_gcn': b_gcn,
        'W_out': W_out, 'b_out': b_out,
    }


def reference(node_features, edge_features, edge_index, W_node, b_node,
              W_edge, b_edge, W_gcn, b_gcn, W_out, b_out):
    src = edge_index[0]
    dst = edge_index[1]
    # MapFeatures: initial node / edge states (Dense 16 + relu)
    h = jax.nn.relu(node_features @ W_node + b_node)            # [N, 16]
    e = jax.nn.relu(edge_features @ W_edge + b_edge)            # [E, 16] (GCN hom update ignores edge states)
    # GCNHomGraphUpdate: symmetric degree-normalized conv, relu activation
    deg = jnp.zeros((N_NODES,), dtype=jnp.float32).at[dst].add(1.0)
    deg = jnp.maximum(deg, 1.0)
    norm = jax.lax.rsqrt(deg[src]) * jax.lax.rsqrt(deg[dst])    # [E]
    xw = h @ W_gcn                                              # [N, message_dim]
    msg = jnp.take(xw, src, axis=0) * norm[:, None]             # gather (SparseCore)
    agg = jnp.zeros((N_NODES, MESSAGE_DIM), dtype=jnp.float32).at[dst].add(msg)  # scatter-add
    nodes = jax.nn.relu(agg + b_gcn)
    # Pool to context: sum over all nodes (single graph component)
    readout = jnp.sum(nodes, axis=0, keepdims=True)             # [1, message_dim]
    out = readout @ W_out + b_out                               # [1, 27], linear
    return out

if __name__ == "__main__":
    import jax
    _d = setup_inputs()
    print(jax.jit(kernel)(*tuple(_d.values())))

</pallas_src>

<mosaic_0001>
#map = affine_map<(d0, d1) -> (0, 0, 0, 0)>
#map1 = affine_map<(d0, d1) -> (0, 0)>
module attributes {stable_mosaic.version = 14 : i64} {
  func.func @_deg_kernel(%arg0: i32, %arg1: i32, %arg2: memref<2x32x5x2000xi32, #tpu.memory_space<hbm>>, %arg3: memref<2x10240xf32, #tpu.memory_space<hbm>>, %arg4: memref<5x2000xi32, #tpu.memory_space<vmem>>, %arg5: memref<2000xf32, #tpu.memory_space<vmem>>, %arg6: memref<640xf32, #tpu.memory_space<vmem>>, %arg7: memref<10240xf32, #tpu.memory_space<vmem_shared>>, %arg8: memref<!tpu.dma_semaphore, #tpu.memory_space<semaphore_mem>>) attributes {dimension_semantics = [#tpu.dimension_semantics<core_parallel>, #tpu.dimension_semantics<subcore_parallel>], iteration_bounds = array<i64: 2, 16>, scalar_prefetch = 0 : i64, scratch_operands = 5 : i64, tpu.core_type = #tpu.core_type<sc_vector_subcore>, window_params = [{transform_indices = #map}, {transform_indices = #map1}]} {
    %mul3A = arith.constant 16 : i32
    %mul3A_0 = arith.muli %arg0, %mul3A : i32
    %add3A = arith.addi %mul3A_0, %arg1 : i32
    %run_scoped3A = arith.constant 1 : i32
    "tpu.region"() ({
      %run_scoped3A_145 = tpu.sem_alloc : memref<!tpu.dma_semaphore, #tpu.memory_space<semaphore_mem>>
      %dma_start3A_146 = arith.constant 0 : i32
      %dma_start3A_147 = arith.constant 0 : i32
      %dma_start3A_148 = tpu.memref_slice %arg2[%run_scoped3A, %add3A, %dma_start3A_146, %dma_start3A_147] : memref<2x32x5x2000xi32, #tpu.memory_space<hbm>> -> memref<1x1x5x2000xi32, #tpu.memory_space<hbm>>
      %dma_start3A_149 = tpu.memref_squeeze %dma_start3A_148 : memref<1x1x5x2000xi32, #tpu.memory_space<hbm>> -> memref<5x2000xi32, #tpu.memory_space<hbm>>
      %dma_start3A_150 = arith.constant 0 : i32
      %dma_start3A_151 = arith.constant 0 : i32
      %dma_start3A_152 = tpu.memref_slice %arg2[%run_scoped3A, %add3A, %dma_start3A_150, %dma_start3A_151] : memref<2x32x5x2000xi32, #tpu.memory_space<hbm>> -> memref<1x1x5x2000xi32, #tpu.memory_space<hbm>>
      %dma_start3A_153 = tpu.memref_squeeze %dma_start3A_152 : memref<1x1x5x2000xi32, #tpu.memory_space<hbm>> -> memref<5x2000xi32, #tpu.memory_space<hbm>>
      tpu.enqueue_dma source(%dma_start3A_153 : memref<5x2000xi32, #tpu.memory_space<hbm>>) target(%arg4 : memref<5x2000xi32, #tpu.memory_space<vmem>>) target_semaphore(%run_scoped3A_145 : memref<!tpu.dma_semaphore, #tpu.memory_space<semaphore_mem>>)
      %dma_wait3A_154 = arith.constant 0 : i32
      %dma_wait3A_155 = arith.constant 0 : i32
      %dma_wait3A_156 = tpu.memref_slice %arg2[%run_scoped3A, %add3A, %dma_wait3A_154, %dma_wait3A_155] : memref<2x32x5x2000xi32, #tpu.memory_space<hbm>> -> memref<1x1x5x2000xi32, #tpu.memory_space<hbm>>
      %dma_wait3A_157 = tpu.memref_squeeze %dma_wait3A_156 : memref<1x1x5x2000xi32, #tpu.memory_space<hbm>> -> memref<5x2000xi32, #tpu.memory_space<hbm>>
      %dma_wait3A_158 = arith.constant 0 : i32
      %dma_wait3A_159 = arith.constant 0 : i32
      %dma_wait3A_160 = tpu.memref_slice %arg2[%run_scoped3A, %add3A, %dma_wait3A_158, %dma_wait3A_159] : memref<2x32x5x2000xi32, #tpu.memory_space<hbm>> -> memref<1x1x5x2000xi32, #tpu.memory_space<hbm>>
      %dma_wait3A_161 = tpu.memref_squeeze %dma_wait3A_160 : memref<1x1x5x2000xi32, #tpu.memory_space<hbm>> -> memref<5x2000xi32, #tpu.memory_space<hbm>>
      tpu.wait_dma2 semaphore(%run_scoped3A_145 : memref<!tpu.dma_semaphore, #tpu.memory_space<semaphore_mem>>) src(%dma_wait3A_161 : memref<5x2000xi32, #tpu.memory_space<hbm>>) dst(%arg4 : memref<5x2000xi32, #tpu.memory_space<vmem>>)
      tpu.yield
    }) : () -> ()
    %scan3A = arith.constant 0 : i32
    %scan3A_1 = arith.constant 125 : i32
    %scan3A_2 = arith.addi %scan3A, %scan3A_1 : i32
    %scan3A_3 = arith.constant 1 : i32
    scf.for %scan3A_145 = %scan3A to %scan3A_2 step %scan3A_3  : i32 {
      %mul3A_146 = arith.constant 1 : i32
      %mul3A_147 = arith.muli %scan3A_145, %mul3A_146 : i32
      %add3A_148 = arith.constant 0 : i32
      %add3A_149 = arith.addi %add3A_148, %mul3A_147 : i32
      %broadcast_in_dim3A = arith.constant 1.000000e+00 : f32
      %broadcast_in_dim3A_150 = vector.broadcast %broadcast_in_dim3A : f32 to vector<16xf32>
      %mul3A_151 = arith.constant 16 : i32
      %mul3A_152 = arith.muli %add3A_149, %mul3A_151 : i32
      %swap3A = arith.index_cast %mul3A_152 : i32 to index
      %swap3A_153 = tpu.vector_load %arg5[%swap3A] {strides = array<i32>} : memref<2000xf32, #tpu.memory_space<vmem>>, vector<16xf32>,
      tpu.vector_store %arg5[%swap3A], %broadcast_in_dim3A_150 {strides = array<i32>} : memref<2000xf32, #tpu.memory_space<vmem>>, vector<16xf32>,
    }
    %scan3A_4 = arith.constant 125 : i32
    %scan3A_5 = arith.constant 0 : i32
    %scan3A_6 = arith.constant 40 : i32
    %scan3A_7 = arith.addi %scan3A_5, %scan3A_6 : i32
    %scan3A_8 = arith.constant 1 : i32
    scf.for %scan3A_145 = %scan3A_5 to %scan3A_7 step %scan3A_8  : i32 {
      %mul3A_146 = arith.constant 1 : i32
      %mul3A_147 = arith.muli %scan3A_145, %mul3A_146 : i32
      %add3A_148 = arith.constant 0 : i32
      %add3A_149 = arith.addi %add3A_148, %mul3A_147 : i32
      %broadcast_in_dim3A = arith.constant 0.000000e+00 : f32
      %broadcast_in_dim3A_150 = vector.broadcast %broadcast_in_dim3A : f32 to vector<16xf32>
      %mul3A_151 = arith.constant 16 : i32
      %mul3A_152 = arith.muli %add3A_149, %mul3A_151 : i32
      %swap3A = arith.index_cast %mul3A_152 : i32 to index
      %swap3A_153 = tpu.vector_load %arg6[%swap3A] {strides = array<i32>} : memref<640xf32, #tpu.memory_space<vmem>>, vector<16xf32>,
      tpu.vector_store %arg6[%swap3A], %broadcast_in_dim3A_150 {strides = array<i32>} : memref<640xf32, #tpu.memory_space<vmem>>, vector<16xf32>,
    }
    %scan3A_9 = arith.constant 40 : i32
    %mul3A_10 = arith.constant 640 : i32
    %mul3A_11 = arith.muli %arg1, %mul3A_10 : i32
    "tpu.region"() ({
      %run_scoped3A_145 = tpu.sem_alloc : memref<!tpu.dma_semaphore, #tpu.memory_space<semaphore_mem>>
      %dma_start3A_146 = tpu.memref_slice %arg7[%mul3A_11] : memref<10240xf32, #tpu.memory_space<vmem_shared>> -> memref<640xf32, #tpu.memory_space<vmem_shared>>
      %dma_start3A_147 = tpu.memref_slice %arg7[%mul3A_11] : memref<10240xf32, #tpu.memory_space<vmem_shared>> -> memref<640xf32, #tpu.memory_space<vmem_shared>>
      tpu.enqueue_dma source(%arg6 : memref<640xf32, #tpu.memory_space<vmem>>) target(%dma_start3A_147 : memref<640xf32, #tpu.memory_space<vmem_shared>>) target_semaphore(%run_scoped3A_145 : memref<!tpu.dma_semaphore, #tpu.memory_space<semaphore_mem>>)
      %dma_wait3A_148 = tpu.memref_slice %arg7[%mul3A_11] : memref<10240xf32, #tpu.memory_space<vmem_shared>> -> memref<640xf32, #tpu.memory_space<vmem_shared>>
      %dma_wait3A_149 = tpu.memref_slice %arg7[%mul3A_11] : memref<10240xf32, #tpu.memory_space<vmem_shared>> -> memref<640xf32, #tpu.memory_space<vmem_shared>>
      tpu.wait_dma2 semaphore(%run_scoped3A_145 : memref<!tpu.dma_semaphore, #tpu.memory_space<semaphore_mem>>) src(%arg6 : memref<640xf32, #tpu.memory_space<vmem>>) dst(%dma_wait3A_149 : memref<640xf32, #tpu.memory_space<vmem_shared>>)
      tpu.yield
    }) : () -> ()
    %barrier3A = arith.constant 0 : index
    tpu.barrier barrier_id(%barrier3A)
    %scan3A_12 = arith.constant 0 : i32
    %mul3A_13 = arith.constant 1 : i32
    %mul3A_14 = arith.muli %scan3A_12, %mul3A_13 : i32
    %add3A_15 = arith.constant 0 : i32
    %add3A_16 = arith.addi %add3A_15, %mul3A_14 : i32
    %add3A_17 = arith.constant 0 : i32
    %add3A_18 = arith.addi %add3A_17, %add3A_16 : i32
    %dma_start3A = arith.constant 0 : i32
    %dma_start3A_19 = tpu.memref_slice %arg4[%add3A_18, %dma_start3A] : memref<5x2000xi32, #tpu.memory_space<vmem>> -> memref<1x2000xi32, #tpu.memory_space<vmem>>
    %dma_start3A_20 = tpu.memref_squeeze %dma_start3A_19 : memref<1x2000xi32, #tpu.memory_space<vmem>> -> memref<2000xi32, #tpu.memory_space<vmem>>
    %dma_start3A_21 = arith.constant 0 : i32
    %dma_start3A_22 = tpu.memref_slice %arg7[%dma_start3A_21] : memref<10240xf32, #tpu.memory_space<vmem_shared>> -> memref<10240xf32, #tpu.memory_space<vmem_shared>>
    tpu.enqueue_indirect_dma source(%arg5 : memref<2000xf32, #tpu.memory_space<vmem>>) target(%dma_start3A_22 : memref<10240xf32, #tpu.memory_space<vmem_shared>>) offsets(%dma_start3A_20 : memref<2000xi32, #tpu.memory_space<vmem>>) semaphore(%arg8 : memref<!tpu.dma_semaphore, #tpu.memory_space<semaphore_mem>>) {add = true}
    %scan3A_23 = arith.constant 1 : i32
    %scan3A_24 = arith.constant 0 : i32
    %mul3A_25 = arith.constant 1 : i32
    %mul3A_26 = arith.muli %scan3A_24, %mul3A_25 : i32
    %add3A_27 = arith.constant 0 : i32
    %add3A_28 = arith.addi %add3A_27, %mul3A_26 : i32
    %add3A_29 = arith.constant 0 : i32
    %add3A_30 = arith.addi %add3A_29, %add3A_28 : i32
    %dma_wait3A = arith.constant 0 : i32
    %dma_wait3A_31 = tpu.memref_slice %arg4[%add3A_30, %dma_wait3A] : memref<5x2000xi32, #tpu.memory_space<vmem>> -> memref<1x2000xi32, #tpu.memory_space<vmem>>
    %dma_wait3A_32 = tpu.memref_squeeze %dma_wait3A_31 : memref<1x2000xi32, #tpu.memory_space<vmem>> -> memref<2000xi32, #tpu.memory_space<vmem>>
    %dma_wait3A_33 = arith.constant 0 : i32
    %dma_wait3A_34 = tpu.memref_slice %arg7[%dma_wait3A_33] : memref<10240xf32, #tpu.memory_space<vmem_shared>> -> memref<10240xf32, #tpu.memory_space<vmem_shared>>
    tpu.wait_indirect_dma semaphore(%arg8 : memref<!tpu.dma_semaphore, #tpu.memory_space<semaphore_mem>>) src(%arg5 : memref<2000xf32, #tpu.memory_space<vmem>>) dst(%dma_wait3A_34 : memref<10240xf32, #tpu.memory_space<vmem_shared>>)
    %scan3A_35 = arith.constant 1 : i32
    %scan3A_36 = arith.constant 0 : i32
    %mul3A_37 = arith.constant 1 : i32
    %mul3A_38 = arith.muli %scan3A_36, %mul3A_37 : i32
    %add3A_39 = arith.constant 0 : i32
    %add3A_40 = arith.addi %add3A_39, %mul3A_38 : i32
    %add3A_41 = arith.constant 1 : i32
    %add3A_42 = arith.addi %add3A_41, %add3A_40 : i32
    %dma_start3A_43 = arith.constant 0 : i32
    %dma_start3A_44 = tpu.memref_slice %arg4[%add3A_42, %dma_start3A_43] : memref<5x2000xi32, #tpu.memory_space<vmem>> -> memref<1x2000xi32, #tpu.memory_space<vmem>>
    %dma_start3A_45 = tpu.memref_squeeze %dma_start3A_44 : memref<1x2000xi32, #tpu.memory_space<vmem>> -> memref<2000xi32, #tpu.memory_space<vmem>>
    %dma_start3A_46 = arith.constant 0 : i32
    %dma_start3A_47 = tpu.memref_slice %arg7[%dma_start3A_46] : memref<10240xf32, #tpu.memory_space<vmem_shared>> -> memref<10240xf32, #tpu.memory_space<vmem_shared>>
    tpu.enqueue_indirect_dma source(%arg5 : memref<2000xf32, #tpu.memory_space<vmem>>) target(%dma_start3A_47 : memref<10240xf32, #tpu.memory_space<vmem_shared>>) offsets(%dma_start3A_45 : memref<2000xi32, #tpu.memory_space<vmem>>) semaphore(%arg8 : memref<!tpu.dma_semaphore, #tpu.memory_space<semaphore_mem>>) {add = true}
    %scan3A_48 = arith.constant 1 : i32
    %scan3A_49 = arith.constant 0 : i32
    %mul3A_50 = arith.constant 1 : i32
    %mul3A_51 = arith.muli %scan3A_49, %mul3A_50 : i32
    %add3A_52 = arith.constant 0 : i32
    %add3A_53 = arith.addi %add3A_52, %mul3A_51 : i32
    %add3A_54 = arith.constant 1 : i32
    %add3A_55 = arith.addi %add3A_54, %add3A_53 : i32
    %dma_wait3A_56 = arith.constant 0 : i32
    %dma_wait3A_57 = tpu.memref_slice %arg4[%add3A_55, %dma_wait3A_56] : memref<5x2000xi32, #tpu.memory_space<vmem>> -> memref<1x2000xi32, #tpu.memory_space<vmem>>
    %dma_wait3A_58 = tpu.memref_squeeze %dma_wait3A_57 : memref<1x2000xi32, #tpu.memory_space<vmem>> -> memref<2000xi32, #tpu.memory_space<vmem>>
    %dma_wait3A_59 = arith.constant 0 : i32
    %dma_wait3A_60 = tpu.memref_slice %arg7[%dma_wait3A_59] : memref<10240xf32, #tpu.memory_space<vmem_shared>> -> memref<10240xf32, #tpu.memory_space<vmem_shared>>
    tpu.wait_indirect_dma semaphore(%arg8 : memref<!tpu.dma_semaphore, #tpu.memory_space<semaphore_mem>>) src(%arg5 : memref<2000xf32, #tpu.memory_space<vmem>>) dst(%dma_wait3A_60 : memref<10240xf32, #tpu.memory_space<vmem_shared>>)
    %scan3A_61 = arith.constant 1 : i32
    %scan3A_62 = arith.constant 0 : i32
    %mul3A_63 = arith.constant 1 : i32
    %mul3A_64 = arith.muli %scan3A_62, %mul3A_63 : i32
    %add3A_65 = arith.constant 0 : i32
    %add3A_66 = arith.addi %add3A_65, %mul3A_64 : i32
    %add3A_67 = arith.constant 2 : i32
    %add3A_68 = arith.addi %add3A_67, %add3A_66 : i32
    %dma_start3A_69 = arith.constant 0 : i32
    %dma_start3A_70 = tpu.memref_slice %arg4[%add3A_68, %dma_start3A_69] : memref<5x2000xi32, #tpu.memory_space<vmem>> -> memref<1x2000xi32, #tpu.memory_space<vmem>>
    %dma_start3A_71 = tpu.memref_squeeze %dma_start3A_70 : memref<1x2000xi32, #tpu.memory_space<vmem>> -> memref<2000xi32, #tpu.memory_space<vmem>>
    %dma_start3A_72 = arith.constant 0 : i32
    %dma_start3A_73 = tpu.memref_slice %arg7[%dma_start3A_72] : memref<10240xf32, #tpu.memory_space<vmem_shared>> -> memref<10240xf32, #tpu.memory_space<vmem_shared>>
    tpu.enqueue_indirect_dma source(%arg5 : memref<2000xf32, #tpu.memory_space<vmem>>) target(%dma_start3A_73 : memref<10240xf32, #tpu.memory_space<vmem_shared>>) offsets(%dma_start3A_71 : memref<2000xi32, #tpu.memory_space<vmem>>) semaphore(%arg8 : memref<!tpu.dma_semaphore, #tpu.memory_space<semaphore_mem>>) {add = true}
    %scan3A_74 = arith.constant 1 : i32
    %scan3A_75 = arith.constant 0 : i32
    %mul3A_76 = arith.constant 1 : i32
    %mul3A_77 = arith.muli %scan3A_75, %mul3A_76 : i32
    %add3A_78 = arith.constant 0 : i32
    %add3A_79 = arith.addi %add3A_78, %mul3A_77 : i32
    %add3A_80 = arith.constant 2 : i32
    %add3A_81 = arith.addi %add3A_80, %add3A_79 : i32
    %dma_wait3A_82 = arith.constant 0 : i32
    %dma_wait3A_83 = tpu.memref_slice %arg4[%add3A_81, %dma_wait3A_82] : memref<5x2000xi32, #tpu.memory_space<vmem>> -> memref<1x2000xi32, #tpu.memory_space<vmem>>
    %dma_wait3A_84 = tpu.memref_squeeze %dma_wait3A_83 : memref<1x2000xi32, #tpu.memory_space<vmem>> -> memref<2000xi32, #tpu.memory_space<vmem>>
    %dma_wait3A_85 = arith.constant 0 : i32
    %dma_wait3A_86 = tpu.memref_slice %arg7[%dma_wait3A_85] : memref<10240xf32, #tpu.memory_space<vmem_shared>> -> memref<10240xf32, #tpu.memory_space<vmem_shared>>
    tpu.wait_indirect_dma semaphore(%arg8 : memref<!tpu.dma_semaphore, #tpu.memory_space<semaphore_mem>>) src(%arg5 : memref<2000xf32, #tpu.memory_space<vmem>>) dst(%dma_wait3A_86 : memref<10240xf32, #tpu.memory_space<vmem_shared>>)
    %scan3A_87 = arith.constant 1 : i32
    %scan3A_88 = arith.constant 0 : i32
    %mul3A_89 = arith.constant 1 : i32
    %mul3A_90 = arith.muli %scan3A_88, %mul3A_89 : i32
    %add3A_91 = arith.constant 0 : i32
    %add3A_92 = arith.addi %add3A_91, %mul3A_90 : i32
    %add3A_93 = arith.constant 3 : i32
    %add3A_94 = arith.addi %add3A_93, %add3A_92 : i32
    %dma_start3A_95 = arith.constant 0 : i32
    %dma_start3A_96 = tpu.memref_slice %arg4[%add3A_94, %dma_start3A_95] : memref<5x2000xi32, #tpu.memory_space<vmem>> -> memref<1x2000xi32, #tpu.memory_space<vmem>>
    %dma_start3A_97 = tpu.memref_squeeze %dma_start3A_96 : memref<1x2000xi32, #tpu.memory_space<vmem>> -> memref<2000xi32, #tpu.memory_space<vmem>>
    %dma_start3A_98 = arith.constant 0 : i32
    %dma_start3A_99 = tpu.memref_slice %arg7[%dma_start3A_98] : memref<10240xf32, #tpu.memory_space<vmem_shared>> -> memref<10240xf32, #tpu.memory_space<vmem_shared>>
    tpu.enqueue_indirect_dma source(%arg5 : memref<2000xf32, #tpu.memory_space<vmem>>) target(%dma_start3A_99 : memref<10240xf32, #tpu.memory_space<vmem_shared>>) offsets(%dma_start3A_97 : memref<2000xi32, #tpu.memory_space<vmem>>) semaphore(%arg8 : memref<!tpu.dma_semaphore, #tpu.memory_space<semaphore_mem>>) {add = true}
    %scan3A_100 = arith.constant 1 : i32
    %scan3A_101 = arith.constant 0 : i32
    %mul3A_102 = arith.constant 1 : i32
    %mul3A_103 = arith.muli %scan3A_101, %mul3A_102 : i32
    %add3A_104 = arith.constant 0 : i32
    %add3A_105 = arith.addi %add3A_104, %mul3A_103 : i32
    %add3A_106 = arith.constant 3 : i32
    %add3A_107 = arith.addi %add3A_106, %add3A_105 : i32
    %dma_wait3A_108 = arith.constant 0 : i32
    %dma_wait3A_109 = tpu.memref_slice %arg4[%add3A_107, %dma_wait3A_108] : memref<5x2000xi32, #tpu.memory_space<vmem>> -> memref<1x2000xi32, #tpu.memory_space<vmem>>
    %dma_wait3A_110 = tpu.memref_squeeze %dma_wait3A_109 : memref<1x2000xi32, #tpu.memory_space<vmem>> -> memref<2000xi32, #tpu.memory_space<vmem>>
    %dma_wait3A_111 = arith.constant 0 : i32
    %dma_wait3A_112 = tpu.memref_slice %arg7[%dma_wait3A_111] : memref<10240xf32, #tpu.memory_space<vmem_shared>> -> memref<10240xf32, #tpu.memory_space<vmem_shared>>
    tpu.wait_indirect_dma semaphore(%arg8 : memref<!tpu.dma_semaphore, #tpu.memory_space<semaphore_mem>>) src(%arg5 : memref<2000xf32, #tpu.memory_space<vmem>>) dst(%dma_wait3A_112 : memref<10240xf32, #tpu.memory_space<vmem_shared>>)
    %scan3A_113 = arith.constant 1 : i32
    %scan3A_114 = arith.constant 0 : i32
    %mul3A_115 = arith.constant 1 : i32
    %mul3A_116 = arith.muli %scan3A_114, %mul3A_115 : i32
    %add3A_117 = arith.constant 0 : i32
    %add3A_118 = arith.addi %add3A_117, %mul3A_116 : i32
    %add3A_119 = arith.constant 4 : i32
    %add3A_120 = arith.addi %add3A_119, %add3A_118 : i32
    %dma_start3A_121 = arith.constant 0 : i32
    %dma_start3A_122 = tpu.memref_slice %arg4[%add3A_120, %dma_start3A_121] : memref<5x2000xi32, #tpu.memory_space<vmem>> -> memref<1x2000xi32, #tpu.memory_space<vmem>>
    %dma_start3A_123 = tpu.memref_squeeze %dma_start3A_122 : memref<1x2000xi32, #tpu.memory_space<vmem>> -> memref<2000xi32, #tpu.memory_space<vmem>>
    %dma_start3A_124 = arith.constant 0 : i32
    %dma_start3A_125 = tpu.memref_slice %arg7[%dma_start3A_124] : memref<10240xf32, #tpu.memory_space<vmem_shared>> -> memref<10240xf32, #tpu.memory_space<vmem_shared>>
    tpu.enqueue_indirect_dma source(%arg5 : memref<2000xf32, #tpu.memory_space<vmem>>) target(%dma_start3A_125 : memref<10240xf32, #tpu.memory_space<vmem_shared>>) offsets(%dma_start3A_123 : memref<2000xi32, #tpu.memory_space<vmem>>) semaphore(%arg8 : memref<!tpu.dma_semaphore, #tpu.memory_space<semaphore_mem>>) {add = true}
    %scan3A_126 = arith.constant 1 : i32
    %scan3A_127 = arith.constant 0 : i32
    %mul3A_128 = arith.constant 1 : i32
    %mul3A_129 = arith.muli %scan3A_127, %mul3A_128 : i32
    %add3A_130 = arith.constant 0 : i32
    %add3A_131 = arith.addi %add3A_130, %mul3A_129 : i32
    %add3A_132 = arith.constant 4 : i32
    %add3A_133 = arith.addi %add3A_132, %add3A_131 : i32
    %dma_wait3A_134 = arith.constant 0 : i32
    %dma_wait3A_135 = tpu.memref_slice %arg4[%add3A_133, %dma_wait3A_134] : memref<5x2000xi32, #tpu.memory_space<vmem>> -> memref<1x2000xi32, #tpu.memory_space<vmem>>
    %dma_wait3A_136 = tpu.memref_squeeze %dma_wait3A_135 : memref<1x2000xi32, #tpu.memory_space<vmem>> -> memref<2000xi32, #tpu.memory_space<vmem>>
    %dma_wait3A_137 = arith.constant 0 : i32
    %dma_wait3A_138 = tpu.memref_slice %arg7[%dma_wait3A_137] : memref<10240xf32, #tpu.memory_space<vmem_shared>> -> memref<10240xf32, #tpu.memory_space<vmem_shared>>
    tpu.wait_indirect_dma semaphore(%arg8 : memref<!tpu.dma_semaphore, #tpu.memory_space<semaphore_mem>>) src(%arg5 : memref<2000xf32, #tpu.memory_space<vmem>>) dst(%dma_wait3A_138 : memref<10240xf32, #tpu.memory_space<vmem_shared>>)
    %scan3A_139 = arith.constant 1 : i32
    %barrier3A_140 = arith.constant 0 : index
    tpu.barrier barrier_id(%barrier3A_140)
    %mul3A_141 = arith.constant 640 : i32
    %mul3A_142 = arith.muli %arg1, %mul3A_141 : i32
    "tpu.region"() ({
      %run_scoped3A_145 = tpu.sem_alloc : memref<!tpu.dma_semaphore, #tpu.memory_space<semaphore_mem>>
      %dma_start3A_146 = tpu.memref_slice %arg7[%mul3A_142] : memref<10240xf32, #tpu.memory_space<vmem_shared>> -> memref<640xf32, #tpu.memory_space<vmem_shared>>
      %dma_start3A_147 = tpu.memref_slice %arg7[%mul3A_142] : memref<10240xf32, #tpu.memory_space<vmem_shared>> -> memref<640xf32, #tpu.memory_space<vmem_shared>>
      tpu.enqueue_dma source(%dma_start3A_147 : memref<640xf32, #tpu.memory_space<vmem_shared>>) target(%arg6 : memref<640xf32, #tpu.memory_space<vmem>>) target_semaphore(%run_scoped3A_145 : memref<!tpu.dma_semaphore, #tpu.memory_space<semaphore_mem>>)
      %dma_wait3A_148 = tpu.memref_slice %arg7[%mul3A_142] : memref<10240xf32, #tpu.memory_space<vmem_shared>> -> memref<640xf32, #tpu.memory_space<vmem_shared>>
      %dma_wait3A_149 = tpu.memref_slice %arg7[%mul3A_142] : memref<10240xf32, #tpu.memory_space<vmem_shared>> -> memref<640xf32, #tpu.memory_space<vmem_shared>>
      tpu.wait_dma2 semaphore(%run_scoped3A_145 : memref<!tpu.dma_semaphore, #tpu.memory_space<semaphore_mem>>) src(%dma_wait3A_149 : memref<640xf32, #tpu.memory_space<vmem_shared>>) dst(%arg6 : memref<640xf32, #tpu.memory_space<vmem>>)
      tpu.yield
    }) : () -> ()
    %mul3A_143 = arith.constant 640 : i32
    %mul3A_144 = arith.muli %arg1, %mul3A_143 : i32
    "tpu.region"() ({
      %run_scoped3A_145 = tpu.sem_alloc : memref<!tpu.dma_semaphore, #tpu.memory_space<semaphore_mem>>
      %dma_start3A_146 = tpu.memref_slice %arg3[%arg0, %mul3A_144] : memref<2x10240xf32, #tpu.memory_space<hbm>> -> memref<1x640xf32, #tpu.memory_space<hbm>>
      %dma_start3A_147 = tpu.memref_squeeze %dma_start3A_146 : memref<1x640xf32, #tpu.memory_space<hbm>> -> memref<640xf32, #tpu.memory_space<hbm>>
      %dma_start3A_148 = tpu.memref_slice %arg3[%arg0, %mul3A_144] : memref<2x10240xf32, #tpu.memory_space<hbm>> -> memref<1x640xf32, #tpu.memory_space<hbm>>
      %dma_start3A_149 = tpu.memref_squeeze %dma_start3A_148 : memref<1x640xf32, #tpu.memory_space<hbm>> -> memref<640xf32, #tpu.memory_space<hbm>>
      tpu.enqueue_dma source(%arg6 : memref<640xf32, #tpu.memory_space<vmem>>) target(%dma_start3A_149 : memref<640xf32, #tpu.memory_space<hbm>>) target_semaphore(%run_scoped3A_145 : memref<!tpu.dma_semaphore, #tpu.memory_space<semaphore_mem>>)
      %dma_wait3A_150 = tpu.memref_slice %arg3[%arg0, %mul3A_144] : memref<2x10240xf32, #tpu.memory_space<hbm>> -> memref<1x640xf32, #tpu.memory_space<hbm>>
      %dma_wait3A_151 = tpu.memref_squeeze %dma_wait3A_150 : memref<1x640xf32, #tpu.memory_space<hbm>> -> memref<640xf32, #tpu.memory_space<hbm>>
      %dma_wait3A_152 = tpu.memref_slice %arg3[%arg0, %mul3A_144] : memref<2x10240xf32, #tpu.memory_space<hbm>> -> memref<1x640xf32, #tpu.memory_space<hbm>>
      %dma_wait3A_153 = tpu.memref_squeeze %dma_wait3A_152 : memref<1x640xf32, #tpu.memory_space<hbm>> -> memref<640xf32, #tpu.memory_space<hbm>>
      tpu.wait_dma2 semaphore(%run_scoped3A_145 : memref<!tpu.dma_semaphore, #tpu.memory_space<semaphore_mem>>) src(%arg6 : memref<640xf32, #tpu.memory_space<vmem>>) dst(%dma_wait3A_153 : memref<640xf32, #tpu.memory_space<hbm>>)
      tpu.yield
    }) : () -> ()
    return
  }
}

#map = affine_map<(d0, d1) -> (0, 0)>
#map1 = affine_map<(d0, d1) -> (0, 0, 0, 0)>
module attributes {stable_mosaic.version = 14 : i64} {
  func.func @_main_kernel(%arg0: i32, %arg1: i32, %arg2: memref<10240x16xf32, #tpu.memory_space<hbm>>, %arg3: memref<2x32x5x2000xi32, #tpu.memory_space<hbm>>, %arg4: memref<2x10240xf32, #tpu.memory_space<hbm>>, %arg5: memref<2x16x640x16xf32, #tpu.memory_space<hbm>>, %arg6: memref<5x2000xi32, #tpu.memory_space<vmem>>, %arg7: memref<5x2000xi32, #tpu.memory_space<vmem>>, %arg8: memref<2x2000x16xf32, #tpu.memory_space<vmem>>, %arg9: memref<640x16xf32, #tpu.memory_space<vmem>>, %arg10: memref<640xf32, #tpu.memory_space<vmem>>, %arg11: memref<640xf32, #tpu.memory_space<vmem>>, %arg12: memref<640xf32, #tpu.memory_space<vmem>>, %arg13: memref<10240x16xf32, #tpu.memory_space<vmem_shared>>, %arg14: memref<10240x16xf32, #tpu.memory_space<vmem_shared>>, %arg15: memref<!tpu.dma_semaphore, #tpu.memory_space<semaphore_mem>>, %arg16: memref<!tpu.dma_semaphore, #tpu.memory_space<semaphore_mem>>, %arg17: memref<!tpu.dma_semaphore, #tpu.memory_space<semaphore_mem>>, %arg18: memref<!tpu.dma_semaphore, #tpu.memory_space<semaphore_mem>>) attributes {dimension_semantics = [#tpu.dimension_semantics<core_parallel>, #tpu.dimension_semantics<subcore_parallel>], iteration_bounds = array<i64: 2, 16>, scalar_prefetch = 0 : i64, scratch_operands = 13 : i64, tpu.core_type = #tpu.core_type<sc_vector_subcore>, window_params = [{transform_indices = #map}, {transform_indices = #map1}, {transform_indices = #map}, {transform_indices = #map1}]} {
    %mul3A = arith.constant 16 : i32
    %mul3A_0 = arith.muli %arg0, %mul3A : i32
    %add3A = arith.addi %mul3A_0, %arg1 : i32
    %run_scoped3A = arith.constant 0 : i32
    "tpu.region"() ({
      %run_scoped3A_494 = tpu.sem_alloc : memref<!tpu.dma_semaphore, #tpu.memory_space<semaphore_mem>>
      %dma_start3A_495 = arith.constant 0 : i32
      %dma_start3A_496 = arith.constant 0 : i32
      %dma_start3A_497 = tpu.memref_slice %arg3[%run_scoped3A, %add3A, %dma_start3A_495, %dma_start3A_496] : memref<2x32x5x2000xi32, #tpu.memory_space<hbm>> -> memref<1x1x5x2000xi32, #tpu.memory_space<hbm>>
      %dma_start3A_498 = tpu.memref_squeeze %dma_start3A_497 : memref<1x1x5x2000xi32, #tpu.memory_space<hbm>> -> memref<5x2000xi32, #tpu.memory_space<hbm>>
      %dma_start3A_499 = arith.constant 0 : i32
      %dma_start3A_500 = arith.constant 0 : i32
      %dma_start3A_501 = tpu.memref_slice %arg3[%run_scoped3A, %add3A, %dma_start3A_499, %dma_start3A_500] : memref<2x32x5x2000xi32, #tpu.memory_space<hbm>> -> memref<1x1x5x2000xi32, #tpu.memory_space<hbm>>
      %dma_start3A_502 = tpu.memref_squeeze %dma_start3A_501 : memref<1x1x5x2000xi32, #tpu.memory_space<hbm>> -> memref<5x2000xi32, #tpu.memory_space<hbm>>
      tpu.enqueue_dma source(%dma_start3A_502 : memref<5x2000xi32, #tpu.memory_space<hbm>>) target(%arg6 : memref<5x2000xi32, #tpu.memory_space<vmem>>) target_semaphore(%run_scoped3A_494 : memref<!tpu.dma_semaphore, #tpu.memory_space<semaphore_mem>>)
      %dma_wait3A_503 = arith.constant 0 : i32
      %dma_wait3A_504 = arith.constant 0 : i32
      %dma_wait3A_505 = tpu.memref_slice %arg3[%run_scoped3A, %add3A, %dma_wait3A_503, %dma_wait3A_504] : memref<2x32x5x2000xi32, #tpu.memory_space<hbm>> -> memref<1x1x5x2000xi32, #tpu.memory_space<hbm>>
      %dma_wait3A_506 = tpu.memref_squeeze %dma_wait3A_505 : memref<1x1x5x2000xi32, #tpu.memory_space<hbm>> -> memref<5x2000xi32, #tpu.memory_space<hbm>>
      %dma_wait3A_507 = arith.constant 0 : i32
      %dma_wait3A_508 = arith.constant 0 : i32
      %dma_wait3A_509 = tpu.memref_slice %arg3[%run_scoped3A, %add3A, %dma_wait3A_507, %dma_wait3A_508] : memref<2x32x5x2000xi32, #tpu.memory_space<hbm>> -> memref<1x1x5x2000xi32, #tpu.memory_space<hbm>>
      %dma_wait3A_510 = tpu.memref_squeeze %dma_wait3A_509 : memref<1x1x5x2000xi32, #tpu.memory_space<hbm>> -> memref<5x2000xi32, #tpu.memory_space<hbm>>
      tpu.wait_dma2 semaphore(%run_scoped3A_494 : memref<!tpu.dma_semaphore, #tpu.memory_space<semaphore_mem>>) src(%dma_wait3A_510 : memref<5x2000xi32, #tpu.memory_space<hbm>>) dst(%arg6 : memref<5x2000xi32, #tpu.memory_space<vmem>>)
      tpu.yield
    }) : () -> ()
    %run_scoped3A_1 = arith.constant 1 : i32
    "tpu.region"() ({
      %run_scoped3A_494 = tpu.sem_alloc : memref<!tpu.dma_semaphore, #tpu.memory_space<semaphore_mem>>
      %dma_start3A_495 = arith.constant 0 : i32
      %dma_start3A_496 = arith.constant 0 : i32
      %dma_start3A_497 = tpu.memref_slice %arg3[%run_scoped3A_1, %add3A, %dma_start3A_495, %dma_start3A_496] : memref<2x32x5x2000xi32, #tpu.memory_space<hbm>> -> memref<1x1x5x2000xi32, #tpu.memory_space<hbm>>
      %dma_start3A_498 = tpu.memref_squeeze %dma_start3A_497 : memref<1x1x5x2000xi32, #tpu.memory_space<hbm>> -> memref<5x2000xi32, #tpu.memory_space<hbm>>
      %dma_start3A_499 = arith.constant 0 : i32
      %dma_start3A_500 = arith.constant 0 : i32
      %dma_start3A_501 = tpu.memref_slice %arg3[%run_scoped3A_1, %add3A, %dma_start3A_499, %dma_start3A_500] : memref<2x32x5x2000xi32, #tpu.memory_space<hbm>> -> memref<1x1x5x2000xi32, #tpu.memory_space<hbm>>
      %dma_start3A_502 = tpu.memref_squeeze %dma_start3A_501 : memref<1x1x5x2000xi32, #tpu.memory_space<hbm>> -> memref<5x2000xi32, #tpu.memory_space<hbm>>
      tpu.enqueue_dma source(%dma_start3A_502 : memref<5x2000xi32, #tpu.memory_space<hbm>>) target(%arg7 : memref<5x2000xi32, #tpu.memory_space<vmem>>) target_semaphore(%run_scoped3A_494 : memref<!tpu.dma_semaphore, #tpu.memory_space<semaphore_mem>>)
      %dma_wait3A_503 = arith.constant 0 : i32
      %dma_wait3A_504 = arith.constant 0 : i32
      %dma_wait3A_505 = tpu.memref_slice %arg3[%run_scoped3A_1, %add3A, %dma_wait3A_503, %dma_wait3A_504] : memref<2x32x5x2000xi32, #tpu.memory_space<hbm>> -> memref<1x1x5x2000xi32, #tpu.memory_space<hbm>>
      %dma_wait3A_506 = tpu.memref_squeeze %dma_wait3A_505 : memref<1x1x5x2000xi32, #tpu.memory_space<hbm>> -> memref<5x2000xi32, #tpu.memory_space<hbm>>
      %dma_wait3A_507 = arith.constant 0 : i32
      %dma_wait3A_508 = arith.constant 0 : i32
      %dma_wait3A_509 = tpu.memref_slice %arg3[%run_scoped3A_1, %add3A, %dma_wait3A_507, %dma_wait3A_508] : memref<2x32x5x2000xi32, #tpu.memory_space<hbm>> -> memref<1x1x5x2000xi32, #tpu.memory_space<hbm>>
      %dma_wait3A_510 = tpu.memref_squeeze %dma_wait3A_509 : memref<1x1x5x2000xi32, #tpu.memory_space<hbm>> -> memref<5x2000xi32, #tpu.memory_space<hbm>>
      tpu.wait_dma2 semaphore(%run_scoped3A_494 : memref<!tpu.dma_semaphore, #tpu.memory_space<semaphore_mem>>) src(%dma_wait3A_510 : memref<5x2000xi32, #tpu.memory_space<hbm>>) dst(%arg7 : memref<5x2000xi32, #tpu.memory_space<vmem>>)
      tpu.yield
    }) : () -> ()
    %mul3A_2 = arith.constant 640 : i32
    %mul3A_3 = arith.muli %arg1, %mul3A_2 : i32
    %run_scoped3A_4 = arith.constant 0 : i32
    "tpu.region"() ({
      %run_scoped3A_494 = tpu.sem_alloc : memref<!tpu.dma_semaphore, #tpu.memory_space<semaphore_mem>>
      %dma_start3A_495 = tpu.memref_slice %arg4[%run_scoped3A_4, %mul3A_3] : memref<2x10240xf32, #tpu.memory_space<hbm>> -> memref<1x640xf32, #tpu.memory_space<hbm>>
      %dma_start3A_496 = tpu.memref_squeeze %dma_start3A_495 : memref<1x640xf32, #tpu.memory_space<hbm>> -> memref<640xf32, #tpu.memory_space<hbm>>
      %dma_start3A_497 = tpu.memref_slice %arg4[%run_scoped3A_4, %mul3A_3] : memref<2x10240xf32, #tpu.memory_space<hbm>> -> memref<1x640xf32, #tpu.memory_space<hbm>>
      %dma_start3A_498 = tpu.memref_squeeze %dma_start3A_497 : memref<1x640xf32, #tpu.memory_space<hbm>> -> memref<640xf32, #tpu.memory_space<hbm>>
      tpu.enqueue_dma source(%dma_start3A_498 : memref<640xf32, #tpu.memory_space<hbm>>) target(%arg10 : memref<640xf32, #tpu.memory_space<vmem>>) target_semaphore(%run_scoped3A_494 : memref<!tpu.dma_semaphore, #tpu.memory_space<semaphore_mem>>)
      %dma_wait3A_499 = tpu.memref_slice %arg4[%run_scoped3A_4, %mul3A_3] : memref<2x10240xf32, #tpu.memory_space<hbm>> -> memref<1x640xf32, #tpu.memory_space<hbm>>
      %dma_wait3A_500 = tpu.memref_squeeze %dma_wait3A_499 : memref<1x640xf32, #tpu.memory_space<hbm>> -> memref<640xf32, #tpu.memory_space<hbm>>
      %dma_wait3A_501 = tpu.memref_slice %arg4[%run_scoped3A_4, %mul3A_3] : memref<2x10240xf32, #tpu.memory_space<hbm>> -> memref<1x640xf32, #tpu.memory_space<hbm>>
      %dma_wait3A_502 = tpu.memref_squeeze %dma_wait3A_501 : memref<1x640xf32, #tpu.memory_space<hbm>> -> memref<640xf32, #tpu.memory_space<hbm>>
      tpu.wait_dma2 semaphore(%run_scoped3A_494 : memref<!tpu.dma_semaphore, #tpu.memory_space<semaphore_mem>>) src(%dma_wait3A_502 : memref<640xf32, #tpu.memory_space<hbm>>) dst(%arg10 : memref<640xf32, #tpu.memory_space<vmem>>)
      tpu.yield
    }) : () -> ()
    %mul3A_5 = arith.constant 640 : i32
    %mul3A_6 = arith.muli %arg1, %mul3A_5 : i32
    %run_scoped3A_7 = arith.constant 1 : i32
    "tpu.region"() ({
      %run_scoped3A_494 = tpu.sem_alloc : memref<!tpu.dma_semaphore, #tpu.memory_space<semaphore_mem>>
      %dma_start3A_495 = tpu.memref_slice %arg4[%run_scoped3A_7, %mul3A_6] : memref<2x10240xf32, #tpu.memory_space<hbm>> -> memref<1x640xf32, #tpu.memory_space<hbm>>
      %dma_start3A_496 = tpu.memref_squeeze %dma_start3A_495 : memref<1x640xf32, #tpu.memory_space<hbm>> -> memref<640xf32, #tpu.memory_space<hbm>>
      %dma_start3A_497 = tpu.memref_slice %arg4[%run_scoped3A_7, %mul3A_6] : memref<2x10240xf32, #tpu.memory_space<hbm>> -> memref<1x640xf32, #tpu.memory_space<hbm>>
      %dma_start3A_498 = tpu.memref_squeeze %dma_start3A_497 : memref<1x640xf32, #tpu.memory_space<hbm>> -> memref<640xf32, #tpu.memory_space<hbm>>
      tpu.enqueue_dma source(%dma_start3A_498 : memref<640xf32, #tpu.memory_space<hbm>>) target(%arg11 : memref<640xf32, #tpu.memory_space<vmem>>) target_semaphore(%run_scoped3A_494 : memref<!tpu.dma_semaphore, #tpu.memory_space<semaphore_mem>>)
      %dma_wait3A_499 = tpu.memref_slice %arg4[%run_scoped3A_7, %mul3A_6] : memref<2x10240xf32, #tpu.memory_space<hbm>> -> memref<1x640xf32, #tpu.memory_space<hbm>>
      %dma_wait3A_500 = tpu.memref_squeeze %dma_wait3A_499 : memref<1x640xf32, #tpu.memory_space<hbm>> -> memref<640xf32, #tpu.memory_space<hbm>>
      %dma_wait3A_501 = tpu.memref_slice %arg4[%run_scoped3A_7, %mul3A_6] : memref<2x10240xf32, #tpu.memory_space<hbm>> -> memref<1x640xf32, #tpu.memory_space<hbm>>
      %dma_wait3A_502 = tpu.memref_squeeze %dma_wait3A_501 : memref<1x640xf32, #tpu.memory_space<hbm>> -> memref<640xf32, #tpu.memory_space<hbm>>
      tpu.wait_dma2 semaphore(%run_scoped3A_494 : memref<!tpu.dma_semaphore, #tpu.memory_space<semaphore_mem>>) src(%dma_wait3A_502 : memref<640xf32, #tpu.memory_space<hbm>>) dst(%arg11 : memref<640xf32, #tpu.memory_space<vmem>>)
      tpu.yield
    }) : () -> ()
    %scan3A = arith.constant 0 : i32
    %scan3A_8 = arith.constant 40 : i32
    %scan3A_9 = arith.addi %scan3A, %scan3A_8 : i32
    %scan3A_10 = arith.constant 1 : i32
    scf.for %scan3A_494 = %scan3A to %scan3A_9 step %scan3A_10  : i32 {
      %mul3A_495 = arith.constant 1 : i32
      %mul3A_496 = arith.muli %scan3A_494, %mul3A_495 : i32
      %add3A_497 = arith.constant 0 : i32
      %add3A_498 = arith.addi %add3A_497, %mul3A_496 : i32
      %mul3A_499 = arith.constant 16 : i32
      %mul3A_500 = arith.muli %add3A_498, %mul3A_499 : i32
      %get3A = arith.index_cast %mul3A_500 : i32 to index
      %get3A_501 = tpu.vector_load %arg10[%get3A] {strides = array<i32>} : memref<640xf32, #tpu.memory_space<vmem>>, vector<16xf32>,
      %get3A_502 = arith.index_cast %mul3A_500 : i32 to index
      %get3A_503 = tpu.vector_load %arg11[%get3A_502] {strides = array<i32>} : memref<640xf32, #tpu.memory_space<vmem>>, vector<16xf32>,
      %add3A_504 = arith.addf %get3A_501, %get3A_503 : vector<16xf32>
      %max3A = arith.constant 1.000000e+00 : f32
      %max3A_505 = vector.broadcast %max3A : f32 to vector<16xf32>
      %max3A_506 = arith.maximumf %add3A_504, %max3A_505 : vector<16xf32>
      %bitcast3A = vector.bitcast %max3A_506 : vector<16xf32> to vector<16xi32>
      %shift_right_logical3A = arith.constant 1 : i32
      %shift_right_logical3A_507 = vector.broadcast %shift_right_logical3A : i32 to vector<16xi32>
      %shift_right_logical3A_508 = arith.shrui %bitcast3A, %shift_right_logical3A_507 : vector<16xi32>
      %sub3A = arith.constant 1597463007 : i32
      %sub3A_509 = vector.broadcast %sub3A : i32 to vector<16xi32>
      %sub3A_510 = arith.subi %sub3A_509, %shift_right_logical3A_508 : vector<16xi32>
      %bitcast3A_511 = vector.bitcast %sub3A_510 : vector<16xi32> to vector<16xf32>
      %mul3A_512 = arith.constant 5.000000e-01 : f32
      %mul3A_513 = vector.broadcast %mul3A_512 : f32 to vector<16xf32>
      %mul3A_514 = arith.mulf %mul3A_513, %max3A_506 : vector<16xf32>
      %mul3A_515 = arith.mulf %mul3A_514, %bitcast3A_511 : vector<16xf32>
      %mul3A_516 = arith.mulf %mul3A_515, %bitcast3A_511 : vector<16xf32>
      %sub3A_517 = arith.constant 1.500000e+00 : f32
      %sub3A_518 = vector.broadcast %sub3A_517 : f32 to vector<16xf32>
      %sub3A_519 = arith.subf %sub3A_518, %mul3A_516 : vector<16xf32>
      %mul3A_520 = arith.mulf %bitcast3A_511, %sub3A_519 : vector<16xf32>
      %mul3A_521 = arith.constant 5.000000e-01 : f32
      %mul3A_522 = vector.broadcast %mul3A_521 : f32 to vector<16xf32>
      %mul3A_523 = arith.mulf %mul3A_522, %max3A_506 : vector<16xf32>
      %mul3A_524 = arith.mulf %mul3A_523, %mul3A_520 : vector<16xf32>
      %mul3A_525 = arith.mulf %mul3A_524, %mul3A_520 : vector<16xf32>
      %sub3A_526 = arith.constant 1.500000e+00 : f32
      %sub3A_527 = vector.broadcast %sub3A_526 : f32 to vector<16xf32>
      %sub3A_528 = arith.subf %sub3A_527, %mul3A_525 : vector<16xf32>
      %mul3A_529 = arith.mulf %mul3A_520, %sub3A_528 : vector<16xf32>
      %mul3A_530 = arith.constant 5.000000e-01 : f32
      %mul3A_531 = vector.broadcast %mul3A_530 : f32 to vector<16xf32>
      %mul3A_532 = arith.mulf %mul3A_531, %max3A_506 : vector<16xf32>
      %mul3A_533 = arith.mulf %mul3A_532, %mul3A_529 : vector<16xf32>
      %mul3A_534 = arith.mulf %mul3A_533, %mul3A_529 : vector<16xf32>
      %sub3A_535 = arith.constant 1.500000e+00 : f32
      %sub3A_536 = vector.broadcast %sub3A_535 : f32 to vector<16xf32>
      %sub3A_537 = arith.subf %sub3A_536, %mul3A_534 : vector<16xf32>
      %mul3A_538 = arith.mulf %mul3A_529, %sub3A_537 : vector<16xf32>
      %swap3A = arith.index_cast %mul3A_500 : i32 to index
      %swap3A_539 = tpu.vector_load %arg12[%swap3A] {strides = array<i32>} : memref<640xf32, #tpu.memory_space<vmem>>, vector<16xf32>,
      tpu.vector_store %arg12[%swap3A], %mul3A_538 {strides = array<i32>} : memref<640xf32, #tpu.memory_space<vmem>>, vector<16xf32>,
    }
    %scan3A_11 = arith.constant 40 : i32
    %scan3A_12 = arith.constant 0 : i32
    %scan3A_13 = arith.constant 640 : i32
    %scan3A_14 = arith.addi %scan3A_12, %scan3A_13 : i32
    %scan3A_15 = arith.constant 1 : i32
    scf.for %scan3A_494 = %scan3A_12 to %scan3A_14 step %scan3A_15  : i32 {
      %mul3A_495 = arith.constant 1 : i32
      %mul3A_496 = arith.muli %scan3A_494, %mul3A_495 : i32
      %add3A_497 = arith.constant 0 : i32
      %add3A_498 = arith.addi %add3A_497, %mul3A_496 : i32
      %broadcast_in_dim3A = arith.constant 0.000000e+00 : f32
      %broadcast_in_dim3A_499 = vector.broadcast %broadcast_in_dim3A : f32 to vector<16xf32>
      %swap3A = arith.index_cast %add3A_498 : i32 to index
      %swap3A_500 = arith.constant 0 : index
      %swap3A_501 = tpu.vector_load %arg9[%swap3A, %swap3A_500] {strides = array<i32>} : memref<640x16xf32, #tpu.memory_space<vmem>>, vector<16xf32>,
      tpu.vector_store %arg9[%swap3A, %swap3A_500], %broadcast_in_dim3A_499 {strides = array<i32>} : memref<640x16xf32, #tpu.memory_space<vmem>>, vector<16xf32>,
    }
    %scan3A_16 = arith.constant 640 : i32
    %mul3A_17 = arith.constant 640 : i32
    %mul3A_18 = arith.muli %arg1, %mul3A_17 : i32
    "tpu.region"() ({
      %run_scoped3A_494 = tpu.sem_alloc : memref<!tpu.dma_semaphore, #tpu.memory_space<semaphore_mem>>
      %dma_start3A_495 = arith.constant 0 : i32
      %dma_start3A_496 = tpu.memref_slice %arg14[%mul3A_18, %dma_start3A_495] : memref<10240x16xf32, #tpu.memory_space<vmem_shared>> -> memref<640x16xf32, #tpu.memory_space<vmem_shared>>
      %dma_start3A_497 = arith.constant 0 : i32
      %dma_start3A_498 = tpu.memref_slice %arg14[%mul3A_18, %dma_start3A_497] : memref<10240x16xf32, #tpu.memory_space<vmem_shared>> -> memref<640x16xf32, #tpu.memory_space<vmem_shared>>
      tpu.enqueue_dma source(%arg9 : memref<640x16xf32, #tpu.memory_space<vmem>>) target(%dma_start3A_498 : memref<640x16xf32, #tpu.memory_space<vmem_shared>>) target_semaphore(%run_scoped3A_494 : memref<!tpu.dma_semaphore, #tpu.memory_space<semaphore_mem>>)
      %dma_wait3A_499 = arith.constant 0 : i32
      %dma_wait3A_500 = tpu.memref_slice %arg14[%mul3A_18, %dma_wait3A_499] : memref<10240x16xf32, #tpu.memory_space<vmem_shared>> -> memref<640x16xf32, #tpu.memory_space<vmem_shared>>
      %dma_wait3A_501 = arith.constant 0 : i32
      %dma_wait3A_502 = tpu.memref_slice %arg14[%mul3A_18, %dma_wait3A_501] : memref<10240x16xf32, #tpu.memory_space<vmem_shared>> -> memref<640x16xf32, #tpu.memory_space<vmem_shared>>
      tpu.wait_dma2 semaphore(%run_scoped3A_494 : memref<!tpu.dma_semaphore, #tpu.memory_space<semaphore_mem>>) src(%arg9 : memref<640x16xf32, #tpu.memory_space<vmem>>) dst(%dma_wait3A_502 : memref<640x16xf32, #tpu.memory_space<vmem_shared>>)
      tpu.yield
    }) : () -> ()
    %mul3A_19 = arith.constant 640 : i32
    %mul3A_20 = arith.muli %arg1, %mul3A_19 : i32
    "tpu.region"() ({
      %run_scoped3A_494 = tpu.sem_alloc : memref<!tpu.dma_semaphore, #tpu.memory_space<semaphore_mem>>
      %dma_start3A_495 = arith.constant 0 : i32
      %dma_start3A_496 = tpu.memref_slice %arg2[%mul3A_20, %dma_start3A_495] : memref<10240x16xf32, #tpu.memory_space<hbm>> -> memref<640x16xf32, #tpu.memory_space<hbm>>
      %dma_start3A_497 = arith.constant 0 : i32
      %dma_start3A_498 = tpu.memref_slice %arg2[%mul3A_20, %dma_start3A_497] : memref<10240x16xf32, #tpu.memory_space<hbm>> -> memref<640x16xf32, #tpu.memory_space<hbm>>
      tpu.enqueue_dma source(%dma_start3A_498 : memref<640x16xf32, #tpu.memory_space<hbm>>) target(%arg9 : memref<640x16xf32, #tpu.memory_space<vmem>>) target_semaphore(%run_scoped3A_494 : memref<!tpu.dma_semaphore, #tpu.memory_space<semaphore_mem>>)
      %dma_wait3A_499 = arith.constant 0 : i32
      %dma_wait3A_500 = tpu.memref_slice %arg2[%mul3A_20, %dma_wait3A_499] : memref<10240x16xf32, #tpu.memory_space<hbm>> -> memref<640x16xf32, #tpu.memory_space<hbm>>
      %dma_wait3A_501 = arith.constant 0 : i32
      %dma_wait3A_502 = tpu.memref_slice %arg2[%mul3A_20, %dma_wait3A_501] : memref<10240x16xf32, #tpu.memory_space<hbm>> -> memref<640x16xf32, #tpu.memory_space<hbm>>
      tpu.wait_dma2 semaphore(%run_scoped3A_494 : memref<!tpu.dma_semaphore, #tpu.memory_space<semaphore_mem>>) src(%dma_wait3A_502 : memref<640x16xf32, #tpu.memory_space<hbm>>) dst(%arg9 : memref<640x16xf32, #tpu.memory_space<vmem>>)
      tpu.yield
    }) : () -> ()
    %scan3A_21 = arith.constant 0 : i32
    %scan3A_22 = arith.constant 40 : i32
    %scan3A_23 = arith.addi %scan3A_21, %scan3A_22 : i32
    %scan3A_24 = arith.constant 1 : i32
    scf.for %scan3A_494 = %scan3A_21 to %scan3A_23 step %scan3A_24  : i32 {
      %mul3A_495 = arith.constant 1 : i32
      %mul3A_496 = arith.muli %scan3A_494, %mul3A_495 : i32
      %add3A_497 = arith.constant 0 : i32
      %add3A_498 = arith.addi %add3A_497, %mul3A_496 : i32
      %mul3A_499 = arith.constant 16 : i32
      %mul3A_500 = arith.muli %add3A_498, %mul3A_499 : i32
      %get3A = arith.index_cast %mul3A_500 : i32 to index
      %get3A_501 = tpu.vector_load %arg12[%get3A] {strides = array<i32>} : memref<640xf32, #tpu.memory_space<vmem>>, vector<16xf32>,
      %scan3A_502 = arith.constant 0 : i32
      %scan3A_503 = arith.constant 16 : i32
      %scan3A_504 = arith.addi %scan3A_502, %scan3A_503 : i32
      %scan3A_505 = arith.constant 1 : i32
      scf.for %scan3A_507 = %scan3A_502 to %scan3A_504 step %scan3A_505  : i32 {
        %mul3A_508 = arith.constant 1 : i32
        %mul3A_509 = arith.muli %scan3A_507, %mul3A_508 : i32
        %add3A_510 = arith.constant 0 : i32
        %add3A_511 = arith.addi %add3A_510, %mul3A_509 : i32
        %mul3A_512 = arith.constant 16 : i32
        %mul3A_513 = arith.muli %add3A_498, %mul3A_512 : i32
        %add3A_514 = arith.addi %mul3A_513, %add3A_511 : i32
        %broadcast_in_dim3A = arith.constant 0 : i32
        %broadcast_in_dim3A_515 = vector.broadcast %broadcast_in_dim3A : i32 to vector<16xi32>
        %add3A_516 = vector.broadcast %add3A_511 : i32 to vector<16xi32>
        %add3A_517 = arith.addi %broadcast_in_dim3A_515, %add3A_516 : vector<16xi32>
        %lt3A = arith.constant 0 : i32
        %lt3A_518 = vector.broadcast %lt3A : i32 to vector<16xi32>
        %lt3A_519 = arith.cmpi slt, %add3A_517, %lt3A_518 : vector<16xi32>
        %add3A_520 = arith.constant 16 : i32
        %add3A_521 = vector.broadcast %add3A_520 : i32 to vector<16xi32>
        %add3A_522 = arith.addi %add3A_517, %add3A_521 : vector<16xi32>
        %select_n3A = arith.select %lt3A_519, %add3A_522, %add3A_517 : vector<16xi1>, vector<16xi32>
        %broadcast_in_dim3A_523 = vector.shape_cast %select_n3A : vector<16xi32> to vector<16x1xi32>
        %gather3A = vector.shape_cast %broadcast_in_dim3A_523 : vector<16x1xi32> to vector<16xi32>
        %gather3A_524 = tpu.dynamic_gather %get3A_501[%gather3A] in [0] : vector<16xf32>, vector<16xi32> -> vector<16xf32>
        %get3A_525 = arith.index_cast %add3A_514 : i32 to index
        %get3A_526 = arith.constant 0 : index
        %get3A_527 = tpu.vector_load %arg9[%get3A_525, %get3A_526] {strides = array<i32>} : memref<640x16xf32, #tpu.memory_space<vmem>>, vector<16xf32>,
        %mul3A_528 = arith.mulf %get3A_527, %gather3A_524 : vector<16xf32>
        %swap3A = arith.index_cast %add3A_514 : i32 to index
        %swap3A_529 = arith.constant 0 : index
        %swap3A_530 = tpu.vector_load %arg9[%swap3A, %swap3A_529] {strides = array<i32>} : memref<640x16xf32, #tpu.memory_space<vmem>>, vector<16xf32>,
        tpu.vector_store %arg9[%swap3A, %swap3A_529], %mul3A_528 {strides = array<i32>} : memref<640x16xf32, #tpu.memory_space<vmem>>, vector<16xf32>,
      }
      %scan3A_506 = arith.constant 16 : i32
    }
    %scan3A_25 = arith.constant 40 : i32
    %mul3A_26 = arith.constant 640 : i32
    %mul3A_27 = arith.muli %arg1, %mul3A_26 : i32
    "tpu.region"() ({
      %run_scoped3A_494 = tpu.sem_alloc : memref<!tpu.dma_semaphore, #tpu.memory_space<semaphore_mem>>
      %dma_start3A_495 = arith.constant 0 : i32
      %dma_start3A_496 = tpu.memref_slice %arg13[%mul3A_27, %dma_start3A_495] : memref<10240x16xf32, #tpu.memory_space<vmem_shared>> -> memref<640x16xf32, #tpu.memory_space<vmem_shared>>
      %dma_start3A_497 = arith.constant 0 : i32
      %dma_start3A_498 = tpu.memref_slice %arg13[%mul3A_27, %dma_start3A_497] : memref<10240x16xf32, #tpu.memory_space<vmem_shared>> -> memref<640x16xf32, #tpu.memory_space<vmem_shared>>
      tpu.enqueue_dma source(%arg9 : memref<640x16xf32, #tpu.memory_space<vmem>>) target(%dma_start3A_498 : memref<640x16xf32, #tpu.memory_space<vmem_shared>>) target_semaphore(%run_scoped3A_494 : memref<!tpu.dma_semaphore, #tpu.memory_space<semaphore_mem>>)
      %dma_wait3A_499 = arith.constant 0 : i32
      %dma_wait3A_500 = tpu.memref_slice %arg13[%mul3A_27, %dma_wait3A_499] : memref<10240x16xf32, #tpu.memory_space<vmem_shared>> -> memref<640x16xf32, #tpu.memory_space<vmem_shared>>
      %dma_wait3A_501 = arith.constant 0 : i32
      %dma_wait3A_502 = tpu.memref_slice %arg13[%mul3A_27, %dma_wait3A_501] : memref<10240x16xf32, #tpu.memory_space<vmem_shared>> -> memref<640x16xf32, #tpu.memory_space<vmem_shared>>
      tpu.wait_dma2 semaphore(%run_scoped3A_494 : memref<!tpu.dma_semaphore, #tpu.memory_space<semaphore_mem>>) src(%arg9 : memref<640x16xf32, #tpu.memory_space<vmem>>) dst(%dma_wait3A_502 : memref<640x16xf32, #tpu.memory_space<vmem_shared>>)
      tpu.yield
    }) : () -> ()
    %barrier3A = arith.constant 0 : index
    tpu.barrier barrier_id(%barrier3A)
    %scan3A_28 = arith.constant 0 : i32
    %mul3A_29 = arith.constant 1 : i32
    %mul3A_30 = arith.muli %scan3A_28, %mul3A_29 : i32
    %add3A_31 = arith.constant 0 : i32
    %add3A_32 = arith.addi %add3A_31, %mul3A_30 : i32
    %add3A_33 = arith.constant 0 : i32
    %add3A_34 = arith.addi %add3A_33, %add3A_32 : i32
    %mul3A_35 = arith.constant 2000 : i32
    %mul3A_36 = arith.muli %add3A_32, %mul3A_35 : i32
    %dma_start3A = arith.constant 0 : i32
    %dma_start3A_37 = arith.constant 0 : i32
    %dma_start3A_38 = arith.constant 0 : i32
    %dma_start3A_39 = tpu.memref_slice %arg8[%dma_start3A, %dma_start3A_37, %dma_start3A_38] : memref<2x2000x16xf32, #tpu.memory_space<vmem>> -> memref<1x2000x16xf32, #tpu.memory_space<vmem>>
    %dma_start3A_40 = tpu.memref_squeeze %dma_start3A_39 : memref<1x2000x16xf32, #tpu.memory_space<vmem>> -> memref<2000x16xf32, #tpu.memory_space<vmem>>
    %dma_start3A_41 = arith.constant 0 : i32
    %dma_start3A_42 = tpu.memref_slice %dma_start3A_40[%mul3A_36, %dma_start3A_41] : memref<2000x16xf32, #tpu.memory_space<vmem>> -> memref<2000x16xf32, #tpu.memory_space<vmem>>
    %dma_start3A_43 = arith.constant 0 : i32
    %dma_start3A_44 = tpu.memref_slice %arg6[%add3A_34, %dma_start3A_43] : memref<5x2000xi32, #tpu.memory_space<vmem>> -> memref<1x2000xi32, #tpu.memory_space<vmem>>
    %dma_start3A_45 = tpu.memref_squeeze %dma_start3A_44 : memref<1x2000xi32, #tpu.memory_space<vmem>> -> memref<2000xi32, #tpu.memory_space<vmem>>
    %dma_start3A_46 = arith.constant 0 : i32
    %dma_start3A_47 = arith.constant 0 : i32
    %dma_start3A_48 = tpu.memref_slice %arg13[%dma_start3A_46, %dma_start3A_47] : memref<10240x16xf32, #tpu.memory_space<vmem_shared>> -> memref<10240x16xf32, #tpu.memory_space<vmem_shared>>
    tpu.enqueue_indirect_dma source(%dma_start3A_48 : memref<10240x16xf32, #tpu.memory_space<vmem_shared>>) target(%dma_start3A_42 : memref<2000x16xf32, #tpu.memory_space<vmem>>) offsets(%dma_start3A_45 : memref<2000xi32, #tpu.memory_space<vmem>>) semaphore(%arg15 : memref<!tpu.dma_semaphore, #tpu.memory_space<semaphore_mem>>)
    %scan3A_49 = arith.constant 1 : i32
    %scan3A_50 = arith.constant 0 : i32
    %mul3A_51 = arith.constant 1 : i32
    %mul3A_52 = arith.muli %scan3A_50, %mul3A_51 : i32
    %add3A_53 = arith.constant 0 : i32
    %add3A_54 = arith.addi %add3A_53, %mul3A_52 : i32
    %add3A_55 = arith.constant 0 : i32
    %add3A_56 = arith.addi %add3A_55, %add3A_54 : i32
    %mul3A_57 = arith.constant 2000 : i32
    %mul3A_58 = arith.muli %add3A_54, %mul3A_57 : i32
    %dma_wait3A = arith.constant 0 : i32
    %dma_wait3A_59 = arith.constant 0 : i32
    %dma_wait3A_60 = arith.constant 0 : i32
    %dma_wait3A_61 = tpu.memref_slice %arg8[%dma_wait3A, %dma_wait3A_59, %dma_wait3A_60] : memref<2x2000x16xf32, #tpu.memory_space<vmem>> -> memref<1x2000x16xf32, #tpu.memory_space<vmem>>
    %dma_wait3A_62 = tpu.memref_squeeze %dma_wait3A_61 : memref<1x2000x16xf32, #tpu.memory_space<vmem>> -> memref<2000x16xf32, #tpu.memory_space<vmem>>
    %dma_wait3A_63 = arith.constant 0 : i32
    %dma_wait3A_64 = tpu.memref_slice %dma_wait3A_62[%mul3A_58, %dma_wait3A_63] : memref<2000x16xf32, #tpu.memory_space<vmem>> -> memref<2000x16xf32, #tpu.memory_space<vmem>>
    %dma_wait3A_65 = arith.constant 0 : i32
    %dma_wait3A_66 = tpu.memref_slice %arg6[%add3A_56, %dma_wait3A_65] : memref<5x2000xi32, #tpu.memory_space<vmem>> -> memref<1x2000xi32, #tpu.memory_space<vmem>>
    %dma_wait3A_67 = tpu.memref_squeeze %dma_wait3A_66 : memref<1x2000xi32, #tpu.memory_space<vmem>> -> memref<2000xi32, #tpu.memory_space<vmem>>
    %dma_wait3A_68 = arith.constant 0 : i32
    %dma_wait3A_69 = arith.constant 0 : i32
    %dma_wait3A_70 = tpu.memref_slice %arg13[%dma_wait3A_68, %dma_wait3A_69] : memref<10240x16xf32, #tpu.memory_space<vmem_shared>> -> memref<10240x16xf32, #tpu.memory_space<vmem_shared>>
    tpu.wait_indirect_dma semaphore(%arg15 : memref<!tpu.dma_semaphore, #tpu.memory_space<semaphore_mem>>) src(%dma_wait3A_70 : memref<10240x16xf32, #tpu.memory_space<vmem_shared>>) dst(%dma_wait3A_64 : memref<2000x16xf32, #tpu.memory_space<vmem>>)
    %scan3A_71 = arith.constant 1 : i32
    %scan3A_72 = arith.constant 0 : i32
    %mul3A_73 = arith.constant 1 : i32
    %mul3A_74 = arith.muli %scan3A_72, %mul3A_73 : i32
    %add3A_75 = arith.constant 0 : i32
    %add3A_76 = arith.addi %add3A_75, %mul3A_74 : i32
    %add3A_77 = arith.constant 1 : i32
    %add3A_78 = arith.addi %add3A_77, %add3A_76 : i32
    %mul3A_79 = arith.constant 2000 : i32
    %mul3A_80 = arith.muli %add3A_76, %mul3A_79 : i32
    %dma_start3A_81 = arith.constant 1 : i32
    %dma_start3A_82 = arith.constant 0 : i32
    %dma_start3A_83 = arith.constant 0 : i32
    %dma_start3A_84 = tpu.memref_slice %arg8[%dma_start3A_81, %dma_start3A_82, %dma_start3A_83] : memref<2x2000x16xf32, #tpu.memory_space<vmem>> -> memref<1x2000x16xf32, #tpu.memory_space<vmem>>
    %dma_start3A_85 = tpu.memref_squeeze %dma_start3A_84 : memref<1x2000x16xf32, #tpu.memory_space<vmem>> -> memref<2000x16xf32, #tpu.memory_space<vmem>>
    %dma_start3A_86 = arith.constant 0 : i32
    %dma_start3A_87 = tpu.memref_slice %dma_start3A_85[%mul3A_80, %dma_start3A_86] : memref<2000x16xf32, #tpu.memory_space<vmem>> -> memref<2000x16xf32, #tpu.memory_space<vmem>>
    %dma_start3A_88 = arith.constant 0 : i32
    %dma_start3A_89 = tpu.memref_slice %arg6[%add3A_78, %dma_start3A_88] : memref<5x2000xi32, #tpu.memory_space<vmem>> -> memref<1x2000xi32, #tpu.memory_space<vmem>>
    %dma_start3A_90 = tpu.memref_squeeze %dma_start3A_89 : memref<1x2000xi32, #tpu.memory_space<vmem>> -> memref<2000xi32, #tpu.memory_space<vmem>>
    %dma_start3A_91 = arith.constant 0 : i32
    %dma_start3A_92 = arith.constant 0 : i32
    %dma_start3A_93 = tpu.memref_slice %arg13[%dma_start3A_91, %dma_start3A_92] : memref<10240x16xf32, #tpu.memory_space<vmem_shared>> -> memref<10240x16xf32, #tpu.memory_space<vmem_shared>>
    tpu.enqueue_indirect_dma source(%dma_start3A_93 : memref<10240x16xf32, #tpu.memory_space<vmem_shared>>) target(%dma_start3A_87 : memref<2000x16xf32, #tpu.memory_space<vmem>>) offsets(%dma_start3A_90 : memref<2000xi32, #tpu.memory_space<vmem>>) semaphore(%arg16 : memref<!tpu.dma_semaphore, #tpu.memory_space<semaphore_mem>>)
    %scan3A_94 = arith.constant 1 : i32
    %scan3A_95 = arith.constant 0 : i32
    %mul3A_96 = arith.constant 1 : i32
    %mul3A_97 = arith.muli %scan3A_95, %mul3A_96 : i32
    %add3A_98 = arith.constant 0 : i32
    %add3A_99 = arith.addi %add3A_98, %mul3A_97 : i32
    %add3A_100 = arith.constant 0 : i32
    %add3A_101 = arith.addi %add3A_100, %add3A_99 : i32
    %mul3A_102 = arith.constant 2000 : i32
    %mul3A_103 = arith.muli %add3A_99, %mul3A_102 : i32
    %dma_start3A_104 = arith.constant 0 : i32
    %dma_start3A_105 = arith.constant 0 : i32
    %dma_start3A_106 = arith.constant 0 : i32
    %dma_start3A_107 = tpu.memref_slice %arg8[%dma_start3A_104, %dma_start3A_105, %dma_start3A_106] : memref<2x2000x16xf32, #tpu.memory_space<vmem>> -> memref<1x2000x16xf32, #tpu.memory_space<vmem>>
    %dma_start3A_108 = tpu.memref_squeeze %dma_start3A_107 : memref<1x2000x16xf32, #tpu.memory_space<vmem>> -> memref<2000x16xf32, #tpu.memory_space<vmem>>
    %dma_start3A_109 = arith.constant 0 : i32
    %dma_start3A_110 = tpu.memref_slice %dma_start3A_108[%mul3A_103, %dma_start3A_109] : memref<2000x16xf32, #tpu.memory_space<vmem>> -> memref<2000x16xf32, #tpu.memory_space<vmem>>
    %dma_start3A_111 = arith.constant 0 : i32
    %dma_start3A_112 = tpu.memref_slice %arg7[%add3A_101, %dma_start3A_111] : memref<5x2000xi32, #tpu.memory_space<vmem>> -> memref<1x2000xi32, #tpu.memory_space<vmem>>
    %dma_start3A_113 = tpu.memref_squeeze %dma_start3A_112 : memref<1x2000xi32, #tpu.memory_space<vmem>> -> memref<2000xi32, #tpu.memory_space<vmem>>
    %dma_start3A_114 = arith.constant 0 : i32
    %dma_start3A_115 = arith.constant 0 : i32
    %dma_start3A_116 = tpu.memref_slice %arg14[%dma_start3A_114, %dma_start3A_115] : memref<10240x16xf32, #tpu.memory_space<vmem_shared>> -> memref<10240x16xf32, #tpu.memory_space<vmem_shared>>
    tpu.enqueue_indirect_dma source(%dma_start3A_110 : memref<2000x16xf32, #tpu.memory_space<vmem>>) target(%dma_start3A_116 : memref<10240x16xf32, #tpu.memory_space<vmem_shared>>) offsets(%dma_start3A_113 : memref<2000xi32, #tpu.memory_space<vmem>>) semaphore(%arg17 : memref<!tpu.dma_semaphore, #tpu.memory_space<semaphore_mem>>) {add = true}
    %scan3A_117 = arith.constant 1 : i32
    %scan3A_118 = arith.constant 0 : i32
    %mul3A_119 = arith.constant 1 : i32
    %mul3A_120 = arith.muli %scan3A_118, %mul3A_119 : i32
    %add3A_121 = arith.constant 0 : i32
    %add3A_122 = arith.addi %add3A_121, %mul3A_120 : i32
    %add3A_123 = arith.constant 0 : i32
    %add3A_124 = arith.addi %add3A_123, %add3A_122 : i32
    %mul3A_125 = arith.constant 2000 : i32
    %mul3A_126 = arith.muli %add3A_122, %mul3A_125 : i32
    %dma_wait3A_127 = arith.constant 0 : i32
    %dma_wait3A_128 = arith.constant 0 : i32
    %dma_wait3A_129 = arith.constant 0 : i32
    %dma_wait3A_130 = tpu.memref_slice %arg8[%dma_wait3A_127, %dma_wait3A_128, %dma_wait3A_129] : memref<2x2000x16xf32, #tpu.memory_space<vmem>> -> memref<1x2000x16xf32, #tpu.memory_space<vmem>>
    %dma_wait3A_131 = tpu.memref_squeeze %dma_wait3A_130 : memref<1x2000x16xf32, #tpu.memory_space<vmem>> -> memref<2000x16xf32, #tpu.memory_space<vmem>>
    %dma_wait3A_132 = arith.constant 0 : i32
    %dma_wait3A_133 = tpu.memref_slice %dma_wait3A_131[%mul3A_126, %dma_wait3A_132] : memref<2000x16xf32, #tpu.memory_space<vmem>> -> memref<2000x16xf32, #tpu.memory_space<vmem>>
    %dma_wait3A_134 = arith.constant 0 : i32
    %dma_wait3A_135 = tpu.memref_slice %arg7[%add3A_124, %dma_wait3A_134] : memref<5x2000xi32, #tpu.memory_space<vmem>> -> memref<1x2000xi32, #tpu.memory_space<vmem>>
    %dma_wait3A_136 = tpu.memref_squeeze %dma_wait3A_135 : memref<1x2000xi32, #tpu.memory_space<vmem>> -> memref<2000xi32, #tpu.memory_space<vmem>>
    %dma_wait3A_137 = arith.constant 0 : i32
    %dma_wait3A_138 = arith.constant 0 : i32
    %dma_wait3A_139 = tpu.memref_slice %arg14[%dma_wait3A_137, %dma_wait3A_138] : memref<10240x16xf32, #tpu.memory_space<vmem_shared>> -> memref<10240x16xf32, #tpu.memory_space<vmem_shared>>
    tpu.wait_indirect_dma semaphore(%arg17 : memref<!tpu.dma_semaphore, #tpu.memory_space<semaphore_mem>>) src(%dma_wait3A_133 : memref<2000x16xf32, #tpu.memory_space<vmem>>) dst(%dma_wait3A_139 : memref<10240x16xf32, #tpu.memory_space<vmem_shared>>)
    %scan3A_140 = arith.constant 1 : i32
    %scan3A_141 = arith.constant 0 : i32
    %mul3A_142 = arith.constant 1 : i32
    %mul3A_143 = arith.muli %scan3A_141, %mul3A_142 : i32
    %add3A_144 = arith.constant 0 : i32
    %add3A_145 = arith.addi %add3A_144, %mul3A_143 : i32
    %add3A_146 = arith.constant 1 : i32
    %add3A_147 = arith.addi %add3A_146, %add3A_145 : i32
    %mul3A_148 = arith.constant 2000 : i32
    %mul3A_149 = arith.muli %add3A_145, %mul3A_148 : i32
    %dma_wait3A_150 = arith.constant 1 : i32
    %dma_wait3A_151 = arith.constant 0 : i32
    %dma_wait3A_152 = arith.constant 0 : i32
    %dma_wait3A_153 = tpu.memref_slice %arg8[%dma_wait3A_150, %dma_wait3A_151, %dma_wait3A_152] : memref<2x2000x16xf32, #tpu.memory_space<vmem>> -> memref<1x2000x16xf32, #tpu.memory_space<vmem>>
    %dma_wait3A_154 = tpu.memref_squeeze %dma_wait3A_153 : memref<1x2000x16xf32, #tpu.memory_space<vmem>> -> memref<2000x16xf32, #tpu.memory_space<vmem>>
    %dma_wait3A_155 = arith.constant 0 : i32
    %dma_wait3A_156 = tpu.memref_slice %dma_wait3A_154[%mul3A_149, %dma_wait3A_155] : memref<2000x16xf32, #tpu.memory_space<vmem>> -> memref<2000x16xf32, #tpu.memory_space<vmem>>
    %dma_wait3A_157 = arith.constant 0 : i32
    %dma_wait3A_158 = tpu.memref_slice %arg6[%add3A_147, %dma_wait3A_157] : memref<5x2000xi32, #tpu.memory_space<vmem>> -> memref<1x2000xi32, #tpu.memory_space<vmem>>
    %dma_wait3A_159 = tpu.memref_squeeze %dma_wait3A_158 : memref<1x2000xi32, #tpu.memory_space<vmem>> -> memref<2000xi32, #tpu.memory_space<vmem>>
    %dma_wait3A_160 = arith.constant 0 : i32
    %dma_wait3A_161 = arith.constant 0 : i32
    %dma_wait3A_162 = tpu.memref_slice %arg13[%dma_wait3A_160, %dma_wait3A_161] : memref<10240x16xf32, #tpu.memory_space<vmem_shared>> -> memref<10240x16xf32, #tpu.memory_space<vmem_shared>>
    tpu.wait_indirect_dma semaphore(%arg16 : memref<!tpu.dma_semaphore, #tpu.memory_space<semaphore_mem>>) src(%dma_wait3A_162 : memref<10240x16xf32, #tpu.memory_space<vmem_shared>>) dst(%dma_wait3A_156 : memref<2000x16xf32, #tpu.memory_space<vmem>>)
    %scan3A_163 = arith.constant 1 : i32
    %scan3A_164 = arith.constant 0 : i32
    %mul3A_165 = arith.constant 1 : i32
    %mul3A_166 = arith.muli %scan3A_164, %mul3A_165 : i32
    %add3A_167 = arith.constant 0 : i32
    %add3A_168 = arith.addi %add3A_167, %mul3A_166 : i32
    %add3A_169 = arith.constant 2 : i32
    %add3A_170 = arith.addi %add3A_169, %add3A_168 : i32
    %mul3A_171 = arith.constant 2000 : i32
    %mul3A_172 = arith.muli %add3A_168, %mul3A_171 : i32
    %dma_start3A_173 = arith.constant 0 : i32
    %dma_start3A_174 = arith.constant 0 : i32
    %dma_start3A_175 = arith.constant 0 : i32
    %dma_start3A_176 = tpu.memref_slice %arg8[%dma_start3A_173, %dma_start3A_174, %dma_start3A_175] : memref<2x2000x16xf32, #tpu.memory_space<vmem>> -> memref<1x2000x16xf32, #tpu.memory_space<vmem>>
    %dma_start3A_177 = tpu.memref_squeeze %dma_start3A_176 : memref<1x2000x16xf32, #tpu.memory_space<vmem>> -> memref<2000x16xf32, #tpu.memory_space<vmem>>
    %dma_start3A_178 = arith.constant 0 : i32
    %dma_start3A_179 = tpu.memref_slice %dma_start3A_177[%mul3A_172, %dma_start3A_178] : memref<2000x16xf32, #tpu.memory_space<vmem>> -> memref<2000x16xf32, #tpu.memory_space<vmem>>
    %dma_start3A_180 = arith.constant 0 : i32
    %dma_start3A_181 = tpu.memref_slice %arg6[%add3A_170, %dma_start3A_180] : memref<5x2000xi32, #tpu.memory_space<vmem>> -> memref<1x2000xi32, #tpu.memory_space<vmem>>
    %dma_start3A_182 = tpu.memref_squeeze %dma_start3A_181 : memref<1x2000xi32, #tpu.memory_space<vmem>> -> memref<2000xi32, #tpu.memory_space<vmem>>
    %dma_start3A_183 = arith.constant 0 : i32
    %dma_start3A_184 = arith.constant 0 : i32
    %dma_start3A_185 = tpu.memref_slice %arg13[%dma_start3A_183, %dma_start3A_184] : memref<10240x16xf32, #tpu.memory_space<vmem_shared>> -> memref<10240x16xf32, #tpu.memory_space<vmem_shared>>
    tpu.enqueue_indirect_dma source(%dma_start3A_185 : memref<10240x16xf32, #tpu.memory_space<vmem_shared>>) target(%dma_start3A_179 : memref<2000x16xf32, #tpu.memory_space<vmem>>) offsets(%dma_start3A_182 : memref<2000xi32, #tpu.memory_space<vmem>>) semaphore(%arg15 : memref<!tpu.dma_semaphore, #tpu.memory_space<semaphore_mem>>)
    %scan3A_186 = arith.constant 1 : i32
    %scan3A_187 = arith.constant 0 : i32
    %mul3A_188 = arith.constant 1 : i32
    %mul3A_189 = arith.muli %scan3A_187, %mul3A_188 : i32
    %add3A_190 = arith.constant 0 : i32
    %add3A_191 = arith.addi %add3A_190, %mul3A_189 : i32
    %add3A_192 = arith.constant 1 : i32
    %add3A_193 = arith.addi %add3A_192, %add3A_191 : i32
    %mul3A_194 = arith.constant 2000 : i32
    %mul3A_195 = arith.muli %add3A_191, %mul3A_194 : i32
    %dma_start3A_196 = arith.constant 1 : i32
    %dma_start3A_197 = arith.constant 0 : i32
    %dma_start3A_198 = arith.constant 0 : i32
    %dma_start3A_199 = tpu.memref_slice %arg8[%dma_start3A_196, %dma_start3A_197, %dma_start3A_198] : memref<2x2000x16xf32, #tpu.memory_space<vmem>> -> memref<1x2000x16xf32, #tpu.memory_space<vmem>>
    %dma_start3A_200 = tpu.memref_squeeze %dma_start3A_199 : memref<1x2000x16xf32, #tpu.memory_space<vmem>> -> memref<2000x16xf32, #tpu.memory_space<vmem>>
    %dma_start3A_201 = arith.constant 0 : i32
    %dma_start3A_202 = tpu.memref_slice %dma_start3A_200[%mul3A_195, %dma_start3A_201] : memref<2000x16xf32, #tpu.memory_space<vmem>> -> memref<2000x16xf32, #tpu.memory_space<vmem>>
    %dma_start3A_203 = arith.constant 0 : i32
    %dma_start3A_204 = tpu.memref_slice %arg7[%add3A_193, %dma_start3A_203] : memref<5x2000xi32, #tpu.memory_space<vmem>> -> memref<1x2000xi32, #tpu.memory_space<vmem>>
    %dma_start3A_205 = tpu.memref_squeeze %dma_start3A_204 : memref<1x2000xi32, #tpu.memory_space<vmem>> -> memref<2000xi32, #tpu.memory_space<vmem>>
    %dma_start3A_206 = arith.constant 0 : i32
    %dma_start3A_207 = arith.constant 0 : i32
    %dma_start3A_208 = tpu.memref_slice %arg14[%dma_start3A_206, %dma_start3A_207] : memref<10240x16xf32, #tpu.memory_space<vmem_shared>> -> memref<10240x16xf32, #tpu.memory_space<vmem_shared>>
    tpu.enqueue_indirect_dma source(%dma_start3A_202 : memref<2000x16xf32, #tpu.memory_space<vmem>>) target(%dma_start3A_208 : memref<10240x16xf32, #tpu.memory_space<vmem_shared>>) offsets(%dma_start3A_205 : memref<2000xi32, #tpu.memory_space<vmem>>) semaphore(%arg18 : memref<!tpu.dma_semaphore, #tpu.memory_space<semaphore_mem>>) {add = true}
    %scan3A_209 = arith.constant 1 : i32
    %scan3A_210 = arith.constant 0 : i32
    %mul3A_211 = arith.constant 1 : i32
    %mul3A_212 = arith.muli %scan3A_210, %mul3A_211 : i32
    %add3A_213 = arith.constant 0 : i32
    %add3A_214 = arith.addi %add3A_213, %mul3A_212 : i32
    %add3A_215 = arith.constant 1 : i32
    %add3A_216 = arith.addi %add3A_215, %add3A_214 : i32
    %mul3A_217 = arith.constant 2000 : i32
    %mul3A_218 = arith.muli %add3A_214, %mul3A_217 : i32
    %dma_wait3A_219 = arith.constant 1 : i32
    %dma_wait3A_220 = arith.constant 0 : i32
    %dma_wait3A_221 = arith.constant 0 : i32
    %dma_wait3A_222 = tpu.memref_slice %arg8[%dma_wait3A_219, %dma_wait3A_220, %dma_wait3A_221] : memref<2x2000x16xf32, #tpu.memory_space<vmem>> -> memref<1x2000x16xf32, #tpu.memory_space<vmem>>
    %dma_wait3A_223 = tpu.memref_squeeze %dma_wait3A_222 : memref<1x2000x16xf32, #tpu.memory_space<vmem>> -> memref<2000x16xf32, #tpu.memory_space<vmem>>
    %dma_wait3A_224 = arith.constant 0 : i32
    %dma_wait3A_225 = tpu.memref_slice %dma_wait3A_223[%mul3A_218, %dma_wait3A_224] : memref<2000x16xf32, #tpu.memory_space<vmem>> -> memref<2000x16xf32, #tpu.memory_space<vmem>>
    %dma_wait3A_226 = arith.constant 0 : i32
    %dma_wait3A_227 = tpu.memref_slice %arg7[%add3A_216, %dma_wait3A_226] : memref<5x2000xi32, #tpu.memory_space<vmem>> -> memref<1x2000xi32, #tpu.memory_space<vmem>>
    %dma_wait3A_228 = tpu.memref_squeeze %dma_wait3A_227 : memref<1x2000xi32, #tpu.memory_space<vmem>> -> memref<2000xi32, #tpu.memory_space<vmem>>
    %dma_wait3A_229 = arith.constant 0 : i32
    %dma_wait3A_230 = arith.constant 0 : i32
    %dma_wait3A_231 = tpu.memref_slice %arg14[%dma_wait3A_229, %dma_wait3A_230] : memref<10240x16xf32, #tpu.memory_space<vmem_shared>> -> memref<10240x16xf32, #tpu.memory_space<vmem_shared>>
    tpu.wait_indirect_dma semaphore(%arg18 : memref<!tpu.dma_semaphore, #tpu.memory_space<semaphore_mem>>) src(%dma_wait3A_225 : memref<2000x16xf32, #tpu.memory_space<vmem>>) dst(%dma_wait3A_231 : memref<10240x16xf32, #tpu.memory_space<vmem_shared>>)
    %scan3A_232 = arith.constant 1 : i32
    %scan3A_233 = arith.constant 0 : i32
    %mul3A_234 = arith.constant 1 : i32
    %mul3A_235 = arith.muli %scan3A_233, %mul3A_234 : i32
    %add3A_236 = arith.constant 0 : i32
    %add3A_237 = arith.addi %add3A_236, %mul3A_235 : i32
    %add3A_238 = arith.constant 2 : i32
    %add3A_239 = arith.addi %add3A_238, %add3A_237 : i32
    %mul3A_240 = arith.constant 2000 : i32
    %mul3A_241 = arith.muli %add3A_237, %mul3A_240 : i32
    %dma_wait3A_242 = arith.constant 0 : i32
    %dma_wait3A_243 = arith.constant 0 : i32
    %dma_wait3A_244 = arith.constant 0 : i32
    %dma_wait3A_245 = tpu.memref_slice %arg8[%dma_wait3A_242, %dma_wait3A_243, %dma_wait3A_244] : memref<2x2000x16xf32, #tpu.memory_space<vmem>> -> memref<1x2000x16xf32, #tpu.memory_space<vmem>>
    %dma_wait3A_246 = tpu.memref_squeeze %dma_wait3A_245 : memref<1x2000x16xf32, #tpu.memory_space<vmem>> -> memref<2000x16xf32, #tpu.memory_space<vmem>>
    %dma_wait3A_247 = arith.constant 0 : i32
    %dma_wait3A_248 = tpu.memref_slice %dma_wait3A_246[%mul3A_241, %dma_wait3A_247] : memref<2000x16xf32, #tpu.memory_space<vmem>> -> memref<2000x16xf32, #tpu.memory_space<vmem>>
    %dma_wait3A_249 = arith.constant 0 : i32
    %dma_wait3A_250 = tpu.memref_slice %arg6[%add3A_239, %dma_wait3A_249] : memref<5x2000xi32, #tpu.memory_space<vmem>> -> memref<1x2000xi32, #tpu.memory_space<vmem>>
    %dma_wait3A_251 = tpu.memref_squeeze %dma_wait3A_250 : memref<1x2000xi32, #tpu.memory_space<vmem>> -> memref<2000xi32, #tpu.memory_space<vmem>>
    %dma_wait3A_252 = arith.constant 0 : i32
    %dma_wait3A_253 = arith.constant 0 : i32
    %dma_wait3A_254 = tpu.memref_slice %arg13[%dma_wait3A_252, %dma_wait3A_253] : memref<10240x16xf32, #tpu.memory_space<vmem_shared>> -> memref<10240x16xf32, #tpu.memory_space<vmem_shared>>
    tpu.wait_indirect_dma semaphore(%arg15 : memref<!tpu.dma_semaphore, #tpu.memory_space<semaphore_mem>>) src(%dma_wait3A_254 : memref<10240x16xf32, #tpu.memory_space<vmem_shared>>) dst(%dma_wait3A_248 : memref<2000x16xf32, #tpu.memory_space<vmem>>)
    %scan3A_255 = arith.constant 1 : i32
    %scan3A_256 = arith.constant 0 : i32
    %mul3A_257 = arith.constant 1 : i32
    %mul3A_258 = arith.muli %scan3A_256, %mul3A_257 : i32
    %add3A_259 = arith.constant 0 : i32
    %add3A_260 = arith.addi %add3A_259, %mul3A_258 : i32
    %add3A_261 = arith.constant 3 : i32
    %add3A_262 = arith.addi %add3A_261, %add3A_260 : i32
    %mul3A_263 = arith.constant 2000 : i32
    %mul3A_264 = arith.muli %add3A_260, %mul3A_263 : i32
    %dma_start3A_265 = arith.constant 1 : i32
    %dma_start3A_266 = arith.constant 0 : i32
    %dma_start3A_267 = arith.constant 0 : i32
    %dma_start3A_268 = tpu.memref_slice %arg8[%dma_start3A_265, %dma_start3A_266, %dma_start3A_267] : memref<2x2000x16xf32, #tpu.memory_space<vmem>> -> memref<1x2000x16xf32, #tpu.memory_space<vmem>>
    %dma_start3A_269 = tpu.memref_squeeze %dma_start3A_268 : memref<1x2000x16xf32, #tpu.memory_space<vmem>> -> memref<2000x16xf32, #tpu.memory_space<vmem>>
    %dma_start3A_270 = arith.constant 0 : i32
    %dma_start3A_271 = tpu.memref_slice %dma_start3A_269[%mul3A_264, %dma_start3A_270] : memref<2000x16xf32, #tpu.memory_space<vmem>> -> memref<2000x16xf32, #tpu.memory_space<vmem>>
    %dma_start3A_272 = arith.constant 0 : i32
    %dma_start3A_273 = tpu.memref_slice %arg6[%add3A_262, %dma_start3A_272] : memref<5x2000xi32, #tpu.memory_space<vmem>> -> memref<1x2000xi32, #tpu.memory_space<vmem>>
    %dma_start3A_274 = tpu.memref_squeeze %dma_start3A_273 : memref<1x2000xi32, #tpu.memory_space<vmem>> -> memref<2000xi32, #tpu.memory_space<vmem>>
    %dma_start3A_275 = arith.constant 0 : i32
    %dma_start3A_276 = arith.constant 0 : i32
    %dma_start3A_277 = tpu.memref_slice %arg13[%dma_start3A_275, %dma_start3A_276] : memref<10240x16xf32, #tpu.memory_space<vmem_shared>> -> memref<10240x16xf32, #tpu.memory_space<vmem_shared>>
    tpu.enqueue_indirect_dma source(%dma_start3A_277 : memref<10240x16xf32, #tpu.memory_space<vmem_shared>>) target(%dma_start3A_271 : memref<2000x16xf32, #tpu.memory_space<vmem>>) offsets(%dma_start3A_274 : memref<2000xi32, #tpu.memory_space<vmem>>) semaphore(%arg16 : memref<!tpu.dma_semaphore, #tpu.memory_space<semaphore_mem>>)
    %scan3A_278 = arith.constant 1 : i32
    %scan3A_279 = arith.constant 0 : i32
    %mul3A_280 = arith.constant 1 : i32
    %mul3A_281 = arith.muli %scan3A_279, %mul3A_280 : i32
    %add3A_282 = arith.constant 0 : i32
    %add3A_283 = arith.addi %add3A_282, %mul3A_281 : i32
    %add3A_284 = arith.constant 2 : i32
    %add3A_285 = arith.addi %add3A_284, %add3A_283 : i32
    %mul3A_286 = arith.constant 2000 : i32
    %mul3A_287 = arith.muli %add3A_283, %mul3A_286 : i32
    %dma_start3A_288 = arith.constant 0 : i32
    %dma_start3A_289 = arith.constant 0 : i32
    %dma_start3A_290 = arith.constant 0 : i32
    %dma_start3A_291 = tpu.memref_slice %arg8[%dma_start3A_288, %dma_start3A_289, %dma_start3A_290] : memref<2x2000x16xf32, #tpu.memory_space<vmem>> -> memref<1x2000x16xf32, #tpu.memory_space<vmem>>
    %dma_start3A_292 = tpu.memref_squeeze %dma_start3A_291 : memref<1x2000x16xf32, #tpu.memory_space<vmem>> -> memref<2000x16xf32, #tpu.memory_space<vmem>>
    %dma_start3A_293 = arith.constant 0 : i32
    %dma_start3A_294 = tpu.memref_slice %dma_start3A_292[%mul3A_287, %dma_start3A_293] : memref<2000x16xf32, #tpu.memory_space<vmem>> -> memref<2000x16xf32, #tpu.memory_space<vmem>>
    %dma_start3A_295 = arith.constant 0 : i32
    %dma_start3A_296 = tpu.memref_slice %arg7[%add3A_285, %dma_start3A_295] : memref<5x2000xi32, #tpu.memory_space<vmem>> -> memref<1x2000xi32, #tpu.memory_space<vmem>>
    %dma_start3A_297 = tpu.memref_squeeze %dma_start3A_296 : memref<1x2000xi32, #tpu.memory_space<vmem>> -> memref<2000xi32, #tpu.memory_space<vmem>>
    %dma_start3A_298 = arith.constant 0 : i32
    %dma_start3A_299 = arith.constant 0 : i32
    %dma_start3A_300 = tpu.memref_slice %arg14[%dma_start3A_298, %dma_start3A_299] : memref<10240x16xf32, #tpu.memory_space<vmem_shared>> -> memref<10240x16xf32, #tpu.memory_space<vmem_shared>>
    tpu.enqueue_indirect_dma source(%dma_start3A_294 : memref<2000x16xf32, #tpu.memory_space<vmem>>) target(%dma_start3A_300 : memref<10240x16xf32, #tpu.memory_space<vmem_shared>>) offsets(%dma_start3A_297 : memref<2000xi32, #tpu.memory_space<vmem>>) semaphore(%arg17 : memref<!tpu.dma_semaphore, #tpu.memory_space<semaphore_mem>>) {add = true}
    %scan3A_301 = arith.constant 1 : i32
    %scan3A_302 = arith.constant 0 : i32
    %mul3A_303 = arith.constant 1 : i32
    %mul3A_304 = arith.muli %scan3A_302, %mul3A_303 : i32
    %add3A_305 = arith.constant 0 : i32
    %add3A_306 = arith.addi %add3A_305, %mul3A_304 : i32
    %add3A_307 = arith.constant 2 : i32
    %add3A_308 = arith.addi %add3A_307, %add3A_306 : i32
    %mul3A_309 = arith.constant 2000 : i32
    %mul3A_310 = arith.muli %add3A_306, %mul3A_309 : i32
    %dma_wait3A_311 = arith.constant 0 : i32
    %dma_wait3A_312 = arith.constant 0 : i32
    %dma_wait3A_313 = arith.constant 0 : i32
    %dma_wait3A_314 = tpu.memref_slice %arg8[%dma_wait3A_311, %dma_wait3A_312, %dma_wait3A_313] : memref<2x2000x16xf32, #tpu.memory_space<vmem>> -> memref<1x2000x16xf32, #tpu.memory_space<vmem>>
    %dma_wait3A_315 = tpu.memref_squeeze %dma_wait3A_314 : memref<1x2000x16xf32, #tpu.memory_space<vmem>> -> memref<2000x16xf32, #tpu.memory_space<vmem>>
    %dma_wait3A_316 = arith.constant 0 : i32
    %dma_wait3A_317 = tpu.memref_slice %dma_wait3A_315[%mul3A_310, %dma_wait3A_316] : memref<2000x16xf32, #tpu.memory_space<vmem>> -> memref<2000x16xf32, #tpu.memory_space<vmem>>
    %dma_wait3A_318 = arith.constant 0 : i32
    %dma_wait3A_319 = tpu.memref_slice %arg7[%add3A_308, %dma_wait3A_318] : memref<5x2000xi32, #tpu.memory_space<vmem>> -> memref<1x2000xi32, #tpu.memory_space<vmem>>
    %dma_wait3A_320 = tpu.memref_squeeze %dma_wait3A_319 : memref<1x2000xi32, #tpu.memory_space<vmem>> -> memref<2000xi32, #tpu.memory_space<vmem>>
    %dma_wait3A_321 = arith.constant 0 : i32
    %dma_wait3A_322 = arith.constant 0 : i32
    %dma_wait3A_323 = tpu.memref_slice %arg14[%dma_wait3A_321, %dma_wait3A_322] : memref<10240x16xf32, #tpu.memory_space<vmem_shared>> -> memref<10240x16xf32, #tpu.memory_space<vmem_shared>>
    tpu.wait_indirect_dma semaphore(%arg17 : memref<!tpu.dma_semaphore, #tpu.memory_space<semaphore_mem>>) src(%dma_wait3A_317 : memref<2000x16xf32, #tpu.memory_space<vmem>>) dst(%dma_wait3A_323 : memref<10240x16xf32, #tpu.memory_space<vmem_shared>>)
    %scan3A_324 = arith.constant 1 : i32
    %scan3A_325 = arith.constant 0 : i32
    %mul3A_326 = arith.constant 1 : i32
    %mul3A_327 = arith.muli %scan3A_325, %mul3A_326 : i32
    %add3A_328 = arith.constant 0 : i32
    %add3A_329 = arith.addi %add3A_328, %mul3A_327 : i32
    %add3A_330 = arith.constant 3 : i32
    %add3A_331 = arith.addi %add3A_330, %add3A_329 : i32
    %mul3A_332 = arith.constant 2000 : i32
    %mul3A_333 = arith.muli %add3A_329, %mul3A_332 : i32
    %dma_wait3A_334 = arith.constant 1 : i32
    %dma_wait3A_335 = arith.constant 0 : i32
    %dma_wait3A_336 = arith.constant 0 : i32
    %dma_wait3A_337 = tpu.memref_slice %arg8[%dma_wait3A_334, %dma_wait3A_335, %dma_wait3A_336] : memref<2x2000x16xf32, #tpu.memory_space<vmem>> -> memref<1x2000x16xf32, #tpu.memory_space<vmem>>
    %dma_wait3A_338 = tpu.memref_squeeze %dma_wait3A_337 : memref<1x2000x16xf32, #tpu.memory_space<vmem>> -> memref<2000x16xf32, #tpu.memory_space<vmem>>
    %dma_wait3A_339 = arith.constant 0 : i32
    %dma_wait3A_340 = tpu.memref_slice %dma_wait3A_338[%mul3A_333, %dma_wait3A_339] : memref<2000x16xf32, #tpu.memory_space<vmem>> -> memref<2000x16xf32, #tpu.memory_space<vmem>>
    %dma_wait3A_341 = arith.constant 0 : i32
    %dma_wait3A_342 = tpu.memref_slice %arg6[%add3A_331, %dma_wait3A_341] : memref<5x2000xi32, #tpu.memory_space<vmem>> -> memref<1x2000xi32, #tpu.memory_space<vmem>>
    %dma_wait3A_343 = tpu.memref_squeeze %dma_wait3A_342 : memref<1x2000xi32, #tpu.memory_space<vmem>> -> memref<2000xi32, #tpu.memory_space<vmem>>
    %dma_wait3A_344 = arith.constant 0 : i32
    %dma_wait3A_345 = arith.constant 0 : i32
    %dma_wait3A_346 = tpu.memref_slice %arg13[%dma_wait3A_344, %dma_wait3A_345] : memref<10240x16xf32, #tpu.memory_space<vmem_shared>> -> memref<10240x16xf32, #tpu.memory_space<vmem_shared>>
    tpu.wait_indirect_dma semaphore(%arg16 : memref<!tpu.dma_semaphore, #tpu.memory_space<semaphore_mem>>) src(%dma_wait3A_346 : memref<10240x16xf32, #tpu.memory_space<vmem_shared>>) dst(%dma_wait3A_340 : memref<2000x16xf32, #tpu.memory_space<vmem>>)
    %scan3A_347 = arith.constant 1 : i32
    %scan3A_348 = arith.constant 0 : i32
    %mul3A_349 = arith.constant 1 : i32
    %mul3A_350 = arith.muli %scan3A_348, %mul3A_349 : i32
    %add3A_351 = arith.constant 0 : i32
    %add3A_352 = arith.addi %add3A_351, %mul3A_350 : i32
    %add3A_353 = arith.constant 4 : i32
    %add3A_354 = arith.addi %add3A_353, %add3A_352 : i32
    %mul3A_355 = arith.constant 2000 : i32
    %mul3A_356 = arith.muli %add3A_352, %mul3A_355 : i32
    %dma_start3A_357 = arith.constant 0 : i32
    %dma_start3A_358 = arith.constant 0 : i32
    %dma_start3A_359 = arith.constant 0 : i32
    %dma_start3A_360 = tpu.memref_slice %arg8[%dma_start3A_357, %dma_start3A_358, %dma_start3A_359] : memref<2x2000x16xf32, #tpu.memory_space<vmem>> -> memref<1x2000x16xf32, #tpu.memory_space<vmem>>
    %dma_start3A_361 = tpu.memref_squeeze %dma_start3A_360 : memref<1x2000x16xf32, #tpu.memory_space<vmem>> -> memref<2000x16xf32, #tpu.memory_space<vmem>>
    %dma_start3A_362 = arith.constant 0 : i32
    %dma_start3A_363 = tpu.memref_slice %dma_start3A_361[%mul3A_356, %dma_start3A_362] : memref<2000x16xf32, #tpu.memory_space<vmem>> -> memref<2000x16xf32, #tpu.memory_space<vmem>>
    %dma_start3A_364 = arith.constant 0 : i32
    %dma_start3A_365 = tpu.memref_slice %arg6[%add3A_354, %dma_start3A_364] : memref<5x2000xi32, #tpu.memory_space<vmem>> -> memref<1x2000xi32, #tpu.memory_space<vmem>>
    %dma_start3A_366 = tpu.memref_squeeze %dma_start3A_365 : memref<1x2000xi32, #tpu.memory_space<vmem>> -> memref<2000xi32, #tpu.memory_space<vmem>>
    %dma_start3A_367 = arith.constant 0 : i32
    %dma_start3A_368 = arith.constant 0 : i32
    %dma_start3A_369 = tpu.memref_slice %arg13[%dma_start3A_367, %dma_start3A_368] : memref<10240x16xf32, #tpu.memory_space<vmem_shared>> -> memref<10240x16xf32, #tpu.memory_space<vmem_shared>>
    tpu.enqueue_indirect_dma source(%dma_start3A_369 : memref<10240x16xf32, #tpu.memory_space<vmem_shared>>) target(%dma_start3A_363 : memref<2000x16xf32, #tpu.memory_space<vmem>>) offsets(%dma_start3A_366 : memref<2000xi32, #tpu.memory_space<vmem>>) semaphore(%arg15 : memref<!tpu.dma_semaphore, #tpu.memory_space<semaphore_mem>>)
    %scan3A_370 = arith.constant 1 : i32
    %scan3A_371 = arith.constant 0 : i32
    %mul3A_372 = arith.constant 1 : i32
    %mul3A_373 = arith.muli %scan3A_371, %mul3A_372 : i32
    %add3A_374 = arith.constant 0 : i32
    %add3A_375 = arith.addi %add3A_374, %mul3A_373 : i32
    %add3A_376 = arith.constant 3 : i32
    %add3A_377 = arith.addi %add3A_376, %add3A_375 : i32
    %mul3A_378 = arith.constant 2000 : i32
    %mul3A_379 = arith.muli %add3A_375, %mul3A_378 : i32
    %dma_start3A_380 = arith.constant 1 : i32
    %dma_start3A_381 = arith.constant 0 : i32
    %dma_start3A_382 = arith.constant 0 : i32
    %dma_start3A_383 = tpu.memref_slice %arg8[%dma_start3A_380, %dma_start3A_381, %dma_start3A_382] : memref<2x2000x16xf32, #tpu.memory_space<vmem>> -> memref<1x2000x16xf32, #tpu.memory_space<vmem>>
    %dma_start3A_384 = tpu.memref_squeeze %dma_start3A_383 : memref<1x2000x16xf32, #tpu.memory_space<vmem>> -> memref<2000x16xf32, #tpu.memory_space<vmem>>
    %dma_start3A_385 = arith.constant 0 : i32
    %dma_start3A_386 = tpu.memref_slice %dma_start3A_384[%mul3A_379, %dma_start3A_385] : memref<2000x16xf32, #tpu.memory_space<vmem>> -> memref<2000x16xf32, #tpu.memory_space<vmem>>
    %dma_start3A_387 = arith.constant 0 : i32
    %dma_start3A_388 = tpu.memref_slice %arg7[%add3A_377, %dma_start3A_387] : memref<5x2000xi32, #tpu.memory_space<vmem>> -> memref<1x2000xi32, #tpu.memory_space<vmem>>
    %dma_start3A_389 = tpu.memref_squeeze %dma_start3A_388 : memref<1x2000xi32, #tpu.memory_space<vmem>> -> memref<2000xi32, #tpu.memory_space<vmem>>
    %dma_start3A_390 = arith.constant 0 : i32
    %dma_start3A_391 = arith.constant 0 : i32
    %dma_start3A_392 = tpu.memref_slice %arg14[%dma_start3A_390, %dma_start3A_391] : memref<10240x16xf32, #tpu.memory_space<vmem_shared>> -> memref<10240x16xf32, #tpu.memory_space<vmem_shared>>
    tpu.enqueue_indirect_dma source(%dma_start3A_386 : memref<2000x16xf32, #tpu.memory_space<vmem>>) target(%dma_start3A_392 : memref<10240x16xf32, #tpu.memory_space<vmem_shared>>) offsets(%dma_start3A_389 : memref<2000xi32, #tpu.memory_space<vmem>>) semaphore(%arg18 : memref<!tpu.dma_semaphore, #tpu.memory_space<semaphore_mem>>) {add = true}
    %scan3A_393 = arith.constant 1 : i32
    %scan3A_394 = arith.constant 0 : i32
    %mul3A_395 = arith.constant 1 : i32
    %mul3A_396 = arith.muli %scan3A_394, %mul3A_395 : i32
    %add3A_397 = arith.constant 0 : i32
    %add3A_398 = arith.addi %add3A_397, %mul3A_396 : i32
    %add3A_399 = arith.constant 3 : i32
    %add3A_400 = arith.addi %add3A_399, %add3A_398 : i32
    %mul3A_401 = arith.constant 2000 : i32
    %mul3A_402 = arith.muli %add3A_398, %mul3A_401 : i32
    %dma_wait3A_403 = arith.constant 1 : i32
    %dma_wait3A_404 = arith.constant 0 : i32
    %dma_wait3A_405 = arith.constant 0 : i32
    %dma_wait3A_406 = tpu.memref_slice %arg8[%dma_wait3A_403, %dma_wait3A_404, %dma_wait3A_405] : memref<2x2000x16xf32, #tpu.memory_space<vmem>> -> memref<1x2000x16xf32, #tpu.memory_space<vmem>>
    %dma_wait3A_407 = tpu.memref_squeeze %dma_wait3A_406 : memref<1x2000x16xf32, #tpu.memory_space<vmem>> -> memref<2000x16xf32, #tpu.memory_space<vmem>>
    %dma_wait3A_408 = arith.constant 0 : i32
    %dma_wait3A_409 = tpu.memref_slice %dma_wait3A_407[%mul3A_402, %dma_wait3A_408] : memref<2000x16xf32, #tpu.memory_space<vmem>> -> memref<2000x16xf32, #tpu.memory_space<vmem>>
    %dma_wait3A_410 = arith.constant 0 : i32
    %dma_wait3A_411 = tpu.memref_slice %arg7[%add3A_400, %dma_wait3A_410] : memref<5x2000xi32, #tpu.memory_space<vmem>> -> memref<1x2000xi32, #tpu.memory_space<vmem>>
    %dma_wait3A_412 = tpu.memref_squeeze %dma_wait3A_411 : memref<1x2000xi32, #tpu.memory_space<vmem>> -> memref<2000xi32, #tpu.memory_space<vmem>>
    %dma_wait3A_413 = arith.constant 0 : i32
    %dma_wait3A_414 = arith.constant 0 : i32
    %dma_wait3A_415 = tpu.memref_slice %arg14[%dma_wait3A_413, %dma_wait3A_414] : memref<10240x16xf32, #tpu.memory_space<vmem_shared>> -> memref<10240x16xf32, #tpu.memory_space<vmem_shared>>
    tpu.wait_indirect_dma semaphore(%arg18 : memref<!tpu.dma_semaphore, #tpu.memory_space<semaphore_mem>>) src(%dma_wait3A_409 : memref<2000x16xf32, #tpu.memory_space<vmem>>) dst(%dma_wait3A_415 : memref<10240x16xf32, #tpu.memory_space<vmem_shared>>)
    %scan3A_416 = arith.constant 1 : i32
    %scan3A_417 = arith.constant 0 : i32
    %mul3A_418 = arith.constant 1 : i32
    %mul3A_419 = arith.muli %scan3A_417, %mul3A_418 : i32
    %add3A_420 = arith.constant 0 : i32
    %add3A_421 = arith.addi %add3A_420, %mul3A_419 : i32
    %add3A_422 = arith.constant 4 : i32
    %add3A_423 = arith.addi %add3A_422, %add3A_421 : i32
    %mul3A_424 = arith.constant 2000 : i32
    %mul3A_425 = arith.muli %add3A_421, %mul3A_424 : i32
    %dma_wait3A_426 = arith.constant 0 : i32
    %dma_wait3A_427 = arith.constant 0 : i32
    %dma_wait3A_428 = arith.constant 0 : i32
    %dma_wait3A_429 = tpu.memref_slice %arg8[%dma_wait3A_426, %dma_wait3A_427, %dma_wait3A_428] : memref<2x2000x16xf32, #tpu.memory_space<vmem>> -> memref<1x2000x16xf32, #tpu.memory_space<vmem>>
    %dma_wait3A_430 = tpu.memref_squeeze %dma_wait3A_429 : memref<1x2000x16xf32, #tpu.memory_space<vmem>> -> memref<2000x16xf32, #tpu.memory_space<vmem>>
    %dma_wait3A_431 = arith.constant 0 : i32
    %dma_wait3A_432 = tpu.memref_slice %dma_wait3A_430[%mul3A_425, %dma_wait3A_431] : memref<2000x16xf32, #tpu.memory_space<vmem>> -> memref<2000x16xf32, #tpu.memory_space<vmem>>
    %dma_wait3A_433 = arith.constant 0 : i32
    %dma_wait3A_434 = tpu.memref_slice %arg6[%add3A_423, %dma_wait3A_433] : memref<5x2000xi32, #tpu.memory_space<vmem>> -> memref<1x2000xi32, #tpu.memory_space<vmem>>
    %dma_wait3A_435 = tpu.memref_squeeze %dma_wait3A_434 : memref<1x2000xi32, #tpu.memory_space<vmem>> -> memref<2000xi32, #tpu.memory_space<vmem>>
    %dma_wait3A_436 = arith.constant 0 : i32
    %dma_wait3A_437 = arith.constant 0 : i32
    %dma_wait3A_438 = tpu.memref_slice %arg13[%dma_wait3A_436, %dma_wait3A_437] : memref<10240x16xf32, #tpu.memory_space<vmem_shared>> -> memref<10240x16xf32, #tpu.memory_space<vmem_shared>>
    tpu.wait_indirect_dma semaphore(%arg15 : memref<!tpu.dma_semaphore, #tpu.memory_space<semaphore_mem>>) src(%dma_wait3A_438 : memref<10240x16xf32, #tpu.memory_space<vmem_shared>>) dst(%dma_wait3A_432 : memref<2000x16xf32, #tpu.memory_space<vmem>>)
    %scan3A_439 = arith.constant 1 : i32
    %scan3A_440 = arith.constant 0 : i32
    %mul3A_441 = arith.constant 1 : i32
    %mul3A_442 = arith.muli %scan3A_440, %mul3A_441 : i32
    %add3A_443 = arith.constant 0 : i32
    %add3A_444 = arith.addi %add3A_443, %mul3A_442 : i32
    %add3A_445 = arith.constant 4 : i32
    %add3A_446 = arith.addi %add3A_445, %add3A_444 : i32
    %mul3A_447 = arith.constant 2000 : i32
    %mul3A_448 = arith.muli %add3A_444, %mul3A_447 : i32
    %dma_start3A_449 = arith.constant 0 : i32
    %dma_start3A_450 = arith.constant 0 : i32
    %dma_start3A_451 = arith.constant 0 : i32
    %dma_start3A_452 = tpu.memref_slice %arg8[%dma_start3A_449, %dma_start3A_450, %dma_start3A_451] : memref<2x2000x16xf32, #tpu.memory_space<vmem>> -> memref<1x2000x16xf32, #tpu.memory_space<vmem>>
    %dma_start3A_453 = tpu.memref_squeeze %dma_start3A_452 : memref<1x2000x16xf32, #tpu.memory_space<vmem>> -> memref<2000x16xf32, #tpu.memory_space<vmem>>
    %dma_start3A_454 = arith.constant 0 : i32
    %dma_start3A_455 = tpu.memref_slice %dma_start3A_453[%mul3A_448, %dma_start3A_454] : memref<2000x16xf32, #tpu.memory_space<vmem>> -> memref<2000x16xf32, #tpu.memory_space<vmem>>
    %dma_start3A_456 = arith.constant 0 : i32
    %dma_start3A_457 = tpu.memref_slice %arg7[%add3A_446, %dma_start3A_456] : memref<5x2000xi32, #tpu.memory_space<vmem>> -> memref<1x2000xi32, #tpu.memory_space<vmem>>
    %dma_start3A_458 = tpu.memref_squeeze %dma_start3A_457 : memref<1x2000xi32, #tpu.memory_space<vmem>> -> memref<2000xi32, #tpu.memory_space<vmem>>
    %dma_start3A_459 = arith.constant 0 : i32
    %dma_start3A_460 = arith.constant 0 : i32
    %dma_start3A_461 = tpu.memref_slice %arg14[%dma_start3A_459, %dma_start3A_460] : memref<10240x16xf32, #tpu.memory_space<vmem_shared>> -> memref<10240x16xf32, #tpu.memory_space<vmem_shared>>
    tpu.enqueue_indirect_dma source(%dma_start3A_455 : memref<2000x16xf32, #tpu.memory_space<vmem>>) target(%dma_start3A_461 : memref<10240x16xf32, #tpu.memory_space<vmem_shared>>) offsets(%dma_start3A_458 : memref<2000xi32, #tpu.memory_space<vmem>>) semaphore(%arg17 : memref<!tpu.dma_semaphore, #tpu.memory_space<semaphore_mem>>) {add = true}
    %scan3A_462 = arith.constant 1 : i32
    %scan3A_463 = arith.constant 0 : i32
    %mul3A_464 = arith.constant 1 : i32
    %mul3A_465 = arith.muli %scan3A_463, %mul3A_464 : i32
    %add3A_466 = arith.constant 0 : i32
    %add3A_467 = arith.addi %add3A_466, %mul3A_465 : i32
    %add3A_468 = arith.constant 4 : i32
    %add3A_469 = arith.addi %add3A_468, %add3A_467 : i32
    %mul3A_470 = arith.constant 2000 : i32
    %mul3A_471 = arith.muli %add3A_467, %mul3A_470 : i32
    %dma_wait3A_472 = arith.constant 0 : i32
    %dma_wait3A_473 = arith.constant 0 : i32
    %dma_wait3A_474 = arith.constant 0 : i32
    %dma_wait3A_475 = tpu.memref_slice %arg8[%dma_wait3A_472, %dma_wait3A_473, %dma_wait3A_474] : memref<2x2000x16xf32, #tpu.memory_space<vmem>> -> memref<1x2000x16xf32, #tpu.memory_space<vmem>>
    %dma_wait3A_476 = tpu.memref_squeeze %dma_wait3A_475 : memref<1x2000x16xf32, #tpu.memory_space<vmem>> -> memref<2000x16xf32, #tpu.memory_space<vmem>>
    %dma_wait3A_477 = arith.constant 0 : i32
    %dma_wait3A_478 = tpu.memref_slice %dma_wait3A_476[%mul3A_471, %dma_wait3A_477] : memref<2000x16xf32, #tpu.memory_space<vmem>> -> memref<2000x16xf32, #tpu.memory_space<vmem>>
    %dma_wait3A_479 = arith.constant 0 : i32
    %dma_wait3A_480 = tpu.memref_slice %arg7[%add3A_469, %dma_wait3A_479] : memref<5x2000xi32, #tpu.memory_space<vmem>> -> memref<1x2000xi32, #tpu.memory_space<vmem>>
    %dma_wait3A_481 = tpu.memref_squeeze %dma_wait3A_480 : memref<1x2000xi32, #tpu.memory_space<vmem>> -> memref<2000xi32, #tpu.memory_space<vmem>>
    %dma_wait3A_482 = arith.constant 0 : i32
    %dma_wait3A_483 = arith.constant 0 : i32
    %dma_wait3A_484 = tpu.memref_slice %arg14[%dma_wait3A_482, %dma_wait3A_483] : memref<10240x16xf32, #tpu.memory_space<vmem_shared>> -> memref<10240x16xf32, #tpu.memory_space<vmem_shared>>
    tpu.wait_indirect_dma semaphore(%arg17 : memref<!tpu.dma_semaphore, #tpu.memory_space<semaphore_mem>>) src(%dma_wait3A_478 : memref<2000x16xf32, #tpu.memory_space<vmem>>) dst(%dma_wait3A_484 : memref<10240x16xf32, #tpu.memory_space<vmem_shared>>)
    %scan3A_485 = arith.constant 1 : i32
    %barrier3A_486 = arith.constant 0 : index
    tpu.barrier barrier_id(%barrier3A_486)
    %mul3A_487 = arith.constant 640 : i32
    %mul3A_488 = arith.muli %arg1, %mul3A_487 : i32
    "tpu.region"() ({
      %run_scoped3A_494 = tpu.sem_alloc : memref<!tpu.dma_semaphore, #tpu.memory_space<semaphore_mem>>
      %dma_start3A_495 = arith.constant 0 : i32
      %dma_start3A_496 = tpu.memref_slice %arg14[%mul3A_488, %dma_start3A_495] : memref<10240x16xf32, #tpu.memory_space<vmem_shared>> -> memref<640x16xf32, #tpu.memory_space<vmem_shared>>
      %dma_start3A_497 = arith.constant 0 : i32
      %dma_start3A_498 = tpu.memref_slice %arg14[%mul3A_488, %dma_start3A_497] : memref<10240x16xf32, #tpu.memory_space<vmem_shared>> -> memref<640x16xf32, #tpu.memory_space<vmem_shared>>
      tpu.enqueue_dma source(%dma_start3A_498 : memref<640x16xf32, #tpu.memory_space<vmem_shared>>) target(%arg9 : memref<640x16xf32, #tpu.memory_space<vmem>>) target_semaphore(%run_scoped3A_494 : memref<!tpu.dma_semaphore, #tpu.memory_space<semaphore_mem>>)
      %dma_wait3A_499 = arith.constant 0 : i32
      %dma_wait3A_500 = tpu.memref_slice %arg14[%mul3A_488, %dma_wait3A_499] : memref<10240x16xf32, #tpu.memory_space<vmem_shared>> -> memref<640x16xf32, #tpu.memory_space<vmem_shared>>
      %dma_wait3A_501 = arith.constant 0 : i32
      %dma_wait3A_502 = tpu.memref_slice %arg14[%mul3A_488, %dma_wait3A_501] : memref<10240x16xf32, #tpu.memory_space<vmem_shared>> -> memref<640x16xf32, #tpu.memory_space<vmem_shared>>
      tpu.wait_dma2 semaphore(%run_scoped3A_494 : memref<!tpu.dma_semaphore, #tpu.memory_space<semaphore_mem>>) src(%dma_wait3A_502 : memref<640x16xf32, #tpu.memory_space<vmem_shared>>) dst(%arg9 : memref<640x16xf32, #tpu.memory_space<vmem>>)
      tpu.yield
    }) : () -> ()
    %scan3A_489 = arith.constant 0 : i32
    %scan3A_490 = arith.constant 40 : i32
    %scan3A_491 = arith.addi %scan3A_489, %scan3A_490 : i32
    %scan3A_492 = arith.constant 1 : i32
    scf.for %scan3A_494 = %scan3A_489 to %scan3A_491 step %scan3A_492  : i32 {
      %mul3A_495 = arith.constant 1 : i32
      %mul3A_496 = arith.muli %scan3A_494, %mul3A_495 : i32
      %add3A_497 = arith.constant 0 : i32
      %add3A_498 = arith.addi %add3A_497, %mul3A_496 : i32
      %mul3A_499 = arith.constant 16 : i32
      %mul3A_500 = arith.muli %add3A_498, %mul3A_499 : i32
      %get3A = arith.index_cast %mul3A_500 : i32 to index
      %get3A_501 = tpu.vector_load %arg12[%get3A] {strides = array<i32>} : memref<640xf32, #tpu.memory_space<vmem>>, vector<16xf32>,
      %scan3A_502 = arith.constant 0 : i32
      %scan3A_503 = arith.constant 16 : i32
      %scan3A_504 = arith.addi %scan3A_502, %scan3A_503 : i32
      %scan3A_505 = arith.constant 1 : i32
      scf.for %scan3A_507 = %scan3A_502 to %scan3A_504 step %scan3A_505  : i32 {
        %mul3A_508 = arith.constant 1 : i32
        %mul3A_509 = arith.muli %scan3A_507, %mul3A_508 : i32
        %add3A_510 = arith.constant 0 : i32
        %add3A_511 = arith.addi %add3A_510, %mul3A_509 : i32
        %mul3A_512 = arith.constant 16 : i32
        %mul3A_513 = arith.muli %add3A_498, %mul3A_512 : i32
        %add3A_514 = arith.addi %mul3A_513, %add3A_511 : i32
        %broadcast_in_dim3A = arith.constant 0 : i32
        %broadcast_in_dim3A_515 = vector.broadcast %broadcast_in_dim3A : i32 to vector<16xi32>
        %add3A_516 = vector.broadcast %add3A_511 : i32 to vector<16xi32>
        %add3A_517 = arith.addi %broadcast_in_dim3A_515, %add3A_516 : vector<16xi32>
        %lt3A = arith.constant 0 : i32
        %lt3A_518 = vector.broadcast %lt3A : i32 to vector<16xi32>
        %lt3A_519 = arith.cmpi slt, %add3A_517, %lt3A_518 : vector<16xi32>
        %add3A_520 = arith.constant 16 : i32
        %add3A_521 = vector.broadcast %add3A_520 : i32 to vector<16xi32>
        %add3A_522 = arith.addi %add3A_517, %add3A_521 : vector<16xi32>
        %select_n3A = arith.select %lt3A_519, %add3A_522, %add3A_517 : vector<16xi1>, vector<16xi32>
        %broadcast_in_dim3A_523 = vector.shape_cast %select_n3A : vector<16xi32> to vector<16x1xi32>
        %gather3A = vector.shape_cast %broadcast_in_dim3A_523 : vector<16x1xi32> to vector<16xi32>
        %gather3A_524 = tpu.dynamic_gather %get3A_501[%gather3A] in [0] : vector<16xf32>, vector<16xi32> -> vector<16xf32>
        %get3A_525 = arith.index_cast %add3A_514 : i32 to index
        %get3A_526 = arith.constant 0 : index
        %get3A_527 = tpu.vector_load %arg9[%get3A_525, %get3A_526] {strides = array<i32>} : memref<640x16xf32, #tpu.memory_space<vmem>>, vector<16xf32>,
        %mul3A_528 = arith.mulf %get3A_527, %gather3A_524 : vector<16xf32>
        %swap3A = arith.index_cast %add3A_514 : i32 to index
        %swap3A_529 = arith.constant 0 : index
        %swap3A_530 = tpu.vector_load %arg9[%swap3A, %swap3A_529] {strides = array<i32>} : memref<640x16xf32, #tpu.memory_space<vmem>>, vector<16xf32>,
        tpu.vector_store %arg9[%swap3A, %swap3A_529], %mul3A_528 {strides = array<i32>} : memref<640x16xf32, #tpu.memory_space<vmem>>, vector<16xf32>,
      }
      %scan3A_506 = arith.constant 16 : i32
    }
    %scan3A_493 = arith.constant 40 : i32
    "tpu.region"() ({
      %run_scoped3A_494 = tpu.sem_alloc : memref<!tpu.dma_semaphore, #tpu.memory_space<semaphore_mem>>
      %dma_start3A_495 = arith.constant 0 : i32
      %dma_start3A_496 = arith.constant 0 : i32
      %dma_start3A_497 = tpu.memref_slice %arg5[%arg0, %arg1, %dma_start3A_495, %dma_start3A_496] : memref<2x16x640x16xf32, #tpu.memory_space<hbm>> -> memref<1x1x640x16xf32, #tpu.memory_space<hbm>>
      %dma_start3A_498 = tpu.memref_squeeze %dma_start3A_497 : memref<1x1x640x16xf32, #tpu.memory_space<hbm>> -> memref<640x16xf32, #tpu.memory_space<hbm>>
      %dma_start3A_499 = arith.constant 0 : i32
      %dma_start3A_500 = arith.constant 0 : i32
      %dma_start3A_501 = tpu.memref_slice %arg5[%arg0, %arg1, %dma_start3A_499, %dma_start3A_500] : memref<2x16x640x16xf32, #tpu.memory_space<hbm>> -> memref<1x1x640x16xf32, #tpu.memory_space<hbm>>
      %dma_start3A_502 = tpu.memref_squeeze %dma_start3A_501 : memref<1x1x640x16xf32, #tpu.memory_space<hbm>> -> memref<640x16xf32, #tpu.memory_space<hbm>>
      tpu.enqueue_dma source(%arg9 : memref<640x16xf32, #tpu.memory_space<vmem>>) target(%dma_start3A_502 : memref<640x16xf32, #tpu.memory_space<hbm>>) target_semaphore(%run_scoped3A_494 : memref<!tpu.dma_semaphore, #tpu.memory_space<semaphore_mem>>)
      %dma_wait3A_503 = arith.constant 0 : i32
      %dma_wait3A_504 = arith.constant 0 : i32
      %dma_wait3A_505 = tpu.memref_slice %arg5[%arg0, %arg1, %dma_wait3A_503, %dma_wait3A_504] : memref<2x16x640x16xf32, #tpu.memory_space<hbm>> -> memref<1x1x640x16xf32, #tpu.memory_space<hbm>>
      %dma_wait3A_506 = tpu.memref_squeeze %dma_wait3A_505 : memref<1x1x640x16xf32, #tpu.memory_space<hbm>> -> memref<640x16xf32, #tpu.memory_space<hbm>>
      %dma_wait3A_507 = arith.constant 0 : i32
      %dma_wait3A_508 = arith.constant 0 : i32
      %dma_wait3A_509 = tpu.memref_slice %arg5[%arg0, %arg1, %dma_wait3A_507, %dma_wait3A_508] : memref<2x16x640x16xf32, #tpu.memory_space<hbm>> -> memref<1x1x640x16xf32, #tpu.memory_space<hbm>>
      %dma_wait3A_510 = tpu.memref_squeeze %dma_wait3A_509 : memref<1x1x640x16xf32, #tpu.memory_space<hbm>> -> memref<640x16xf32, #tpu.memory_space<hbm>>
      tpu.wait_dma2 semaphore(%run_scoped3A_494 : memref<!tpu.dma_semaphore, #tpu.memory_space<semaphore_mem>>) src(%arg9 : memref<640x16xf32, #tpu.memory_space<vmem>>) dst(%dma_wait3A_510 : memref<640x16xf32, #tpu.memory_space<hbm>>)
      tpu.yield
    }) : () -> ()
    return
  }
}

module attributes {stable_mosaic.version = 14 : i64} {
  func.func @_prep_body(%arg0: memref<1250x1024xf32, #tpu.memory_space<vmem>>, %arg1: memref<1024x128xf32, #tpu.memory_space<vmem>>, %arg2: memref<1x128xf32, #tpu.memory_space<vmem>>, %arg3: memref<1280x128xf32, #tpu.memory_space<vmem>>) attributes {dimension_semantics = [], scalar_prefetch = 0 : i64, scratch_operands = 0 : i64, tpu.core_type = #tpu.core_type<tc>} {
    %get3A = arith.constant 0 : index
    %get3A_0 = arith.constant 0 : index
    %get3A_1 = vector.load %arg0[%get3A, %get3A_0] : memref<1250x1024xf32, #tpu.memory_space<vmem>>, vector<1250x1024xf32>
    %get3A_2 = arith.constant 0 : index
    %get3A_3 = arith.constant 0 : index
    %get3A_4 = vector.load %arg1[%get3A_2, %get3A_3] : memref<1024x128xf32, #tpu.memory_space<vmem>>, vector<1024x128xf32>
    %dot_general3A = arith.constant dense<0.000000e+00> : vector<1250x128xf32>
    %dot_general3A_5 = tpu.matmul %get3A_1, %get3A_4, %dot_general3A {dimension_numbers = #tpu.dot_dimension_numbers<[1], [0], [0], [1], [0, 0, 1, 1], [], []>, transpose_lhs_hint = false} : vector<1250x1024xf32>, vector<1024x128xf32>, vector<1250x128xf32> -> vector<1250x128xf32>
    %get3A_6 = arith.constant 0 : index
    %get3A_7 = arith.constant 0 : index
    %get3A_8 = vector.load %arg2[%get3A_6, %get3A_7] : memref<1x128xf32, #tpu.memory_space<vmem>>, vector<1x128xf32>
    %add3A = vector.broadcast %get3A_8 : vector<1x128xf32> to vector<1250x128xf32>
    %add3A_9 = arith.addf %dot_general3A_5, %add3A : vector<1250x128xf32>
    %max3A = arith.constant 0.000000e+00 : f32
    %max3A_10 = vector.broadcast %max3A : f32 to vector<1250x128xf32>
    %max3A_11 = arith.maximumf %add3A_9, %max3A_10 : vector<1250x128xf32>
    %broadcast_in_dim3A = arith.constant 0.000000e+00 : f32
    %broadcast_in_dim3A_12 = vector.broadcast %broadcast_in_dim3A : f32 to vector<32x128xf32>
    %swap3A = arith.constant 1248 : index
    %swap3A_13 = arith.constant 0 : index
    %swap3A_14 = vector.load %arg3[%swap3A, %swap3A_13] : memref<1280x128xf32, #tpu.memory_space<vmem>>, vector<32x128xf32>
    tpu.vector_store %arg3[%swap3A, %swap3A_13], %broadcast_in_dim3A_12 {strides = array<i32>} : memref<1280x128xf32, #tpu.memory_space<vmem>>, vector<32x128xf32>,
    %swap3A_15 = arith.constant 0 : index
    %swap3A_16 = arith.constant 0 : index
    %swap3A_17 = vector.load %arg3[%swap3A_15, %swap3A_16] : memref<1280x128xf32, #tpu.memory_space<vmem>>, vector<1250x128xf32>
    tpu.vector_store %arg3[%swap3A_15, %swap3A_16], %max3A_11 {strides = array<i32>} : memref<1280x128xf32, #tpu.memory_space<vmem>>, vector<1250x128xf32>,
    return
  }
}

module attributes {stable_mosaic.version = 14 : i64} {
  func.func @_final_body(%arg0: memref<2x16x80x128xf32, #tpu.memory_space<vmem>>, %arg1: memref<128x512xf32, #tpu.memory_space<vmem>>, %arg2: memref<1x512xf32, #tpu.memory_space<vmem>>, %arg3: memref<64x27xf32, #tpu.memory_space<vmem>>, %arg4: memref<1x27xf32, #tpu.memory_space<vmem>>, %arg5: memref<1x27xf32, #tpu.memory_space<vmem>>) attributes {dimension_semantics = [], scalar_prefetch = 0 : i64, scratch_operands = 0 : i64, tpu.core_type = #tpu.core_type<tc>} {
    %get3A = arith.constant 0 : index
    %get3A_0 = arith.constant 0 : index
    %get3A_1 = arith.constant 0 : index
    %get3A_2 = arith.constant 0 : index
    %get3A_3 = vector.load %arg0[%get3A, %get3A_0, %get3A_1, %get3A_2] : memref<2x16x80x128xf32, #tpu.memory_space<vmem>>, vector<2x16x80x128xf32>
    %slice3A = vector.extract_strided_slice %get3A_3 {offsets = [0, 0, 0, 0], sizes = [1, 16, 80, 128], strides = [1, 1, 1, 1]} : vector<2x16x80x128xf32> to vector<1x16x80x128xf32>
    %squeeze3A = vector.shape_cast %slice3A : vector<1x16x80x128xf32> to vector<16x80x128xf32>
    %slice3A_4 = vector.extract_strided_slice %get3A_3 {offsets = [1, 0, 0, 0], sizes = [1, 16, 80, 128], strides = [1, 1, 1, 1]} : vector<2x16x80x128xf32> to vector<1x16x80x128xf32>
    %squeeze3A_5 = vector.shape_cast %slice3A_4 : vector<1x16x80x128xf32> to vector<16x80x128xf32>
    %add3A = arith.addf %squeeze3A, %squeeze3A_5 : vector<16x80x128xf32>
    %reshape3A = vector.shape_cast %add3A : vector<16x80x128xf32> to vector<1280x128xf32>
    %get3A_6 = arith.constant 0 : index
    %get3A_7 = arith.constant 0 : index
    %get3A_8 = vector.load %arg1[%get3A_6, %get3A_7] : memref<128x512xf32, #tpu.memory_space<vmem>>, vector<128x512xf32>
    %dot_general3A = arith.constant dense<0.000000e+00> : vector<1280x512xf32>
    %dot_general3A_9 = tpu.matmul %reshape3A, %get3A_8, %dot_general3A {dimension_numbers = #tpu.dot_dimension_numbers<[1], [0], [0], [1], [0, 0, 1, 1], [], []>, transpose_lhs_hint = false} : vector<1280x128xf32>, vector<128x512xf32>, vector<1280x512xf32> -> vector<1280x512xf32>
    %get3A_10 = arith.constant 0 : index
    %get3A_11 = arith.constant 0 : index
    %get3A_12 = vector.load %arg2[%get3A_10, %get3A_11] : memref<1x512xf32, #tpu.memory_space<vmem>>, vector<1x512xf32>
    %add3A_13 = vector.broadcast %get3A_12 : vector<1x512xf32> to vector<1280x512xf32>
    %add3A_14 = arith.addf %dot_general3A_9, %add3A_13 : vector<1280x512xf32>
    %max3A = arith.constant 0.000000e+00 : f32
    %max3A_15 = vector.broadcast %max3A : f32 to vector<1280x512xf32>
    %max3A_16 = arith.maximumf %add3A_14, %max3A_15 : vector<1280x512xf32>
    %iota3A = tpu.iota {dimensions = array<i32: 0>} : vector<1280x1xi32>
    %lt3A = arith.constant 1250 : i32
    %lt3A_17 = vector.broadcast %lt3A : i32 to vector<1280x1xi32>
    %lt3A_18 = arith.cmpi slt, %iota3A, %lt3A_17 : vector<1280x1xi32>
    %jit3A = arith.constant 0.000000e+00 : f32
    %broadcast_in_dim3A = vector.shape_cast %lt3A_18 : vector<1280x1xi1> to vector<1280x1xi1>
    %broadcast_in_dim3A_19 = vector.broadcast %broadcast_in_dim3A : vector<1280x1xi1> to vector<1280x512xi1>
    %broadcast_in_dim3A_20 = vector.broadcast %jit3A : f32 to vector<1280x512xf32>
    %select_n3A = arith.select %broadcast_in_dim3A_19, %max3A_16, %broadcast_in_dim3A_20 : vector<1280x512xi1>, vector<1280x512xf32>
    %reduce_sum3A = arith.constant dense<0.000000e+00> : vector<512xf32>
    %reduce_sum3A_21 = vector.multi_reduction <add>, %select_n3A, %reduce_sum3A [0] : vector<1280x512xf32> to vector<512xf32>
    %broadcast_in_dim3A_22 = vector.shape_cast %reduce_sum3A_21 : vector<512xf32> to vector<1x512xf32>
    %slice3A_23 = vector.extract_strided_slice %broadcast_in_dim3A_22 {offsets = [0, 0], sizes = [1, 64], strides = [1, 1]} : vector<1x512xf32> to vector<1x64xf32>
    %slice3A_24 = vector.extract_strided_slice %broadcast_in_dim3A_22 {offsets = [0, 64], sizes = [1, 64], strides = [1, 1]} : vector<1x512xf32> to vector<1x64xf32>
    %add3A_25 = arith.addf %slice3A_23, %slice3A_24 : vector<1x64xf32>
    %slice3A_26 = vector.extract_strided_slice %broadcast_in_dim3A_22 {offsets = [0, 128], sizes = [1, 64], strides = [1, 1]} : vector<1x512xf32> to vector<1x64xf32>
    %add3A_27 = arith.addf %add3A_25, %slice3A_26 : vector<1x64xf32>
    %slice3A_28 = vector.extract_strided_slice %broadcast_in_dim3A_22 {offsets = [0, 192], sizes = [1, 64], strides = [1, 1]} : vector<1x512xf32> to vector<1x64xf32>
    %add3A_29 = arith.addf %add3A_27, %slice3A_28 : vector<1x64xf32>
    %slice3A_30 = vector.extract_strided_slice %broadcast_in_dim3A_22 {offsets = [0, 256], sizes = [1, 64], strides = [1, 1]} : vector<1x512xf32> to vector<1x64xf32>
    %add3A_31 = arith.addf %add3A_29, %slice3A_30 : vector<1x64xf32>
    %slice3A_32 = vector.extract_strided_slice %broadcast_in_dim3A_22 {offsets = [0, 320], sizes = [1, 64], strides = [1, 1]} : vector<1x512xf32> to vector<1x64xf32>
    %add3A_33 = arith.addf %add3A_31, %slice3A_32 : vector<1x64xf32>
    %slice3A_34 = vector.extract_strided_slice %broadcast_in_dim3A_22 {offsets = [0, 384], sizes = [1, 64], strides = [1, 1]} : vector<1x512xf32> to vector<1x64xf32>
    %add3A_35 = arith.addf %add3A_33, %slice3A_34 : vector<1x64xf32>
    %slice3A_36 = vector.extract_strided_slice %broadcast_in_dim3A_22 {offsets = [0, 448], sizes = [1, 64], strides = [1, 1]} : vector<1x512xf32> to vector<1x64xf32>
    %add3A_37 = arith.addf %add3A_35, %slice3A_36 : vector<1x64xf32>
    %get3A_38 = arith.constant 0 : index
    %get3A_39 = arith.constant 0 : index
    %get3A_40 = vector.load %arg3[%get3A_38, %get3A_39] : memref<64x27xf32, #tpu.memory_space<vmem>>, vector<64x27xf32>
    %dot_general3A_41 = arith.constant dense<0.000000e+00> : vector<1x27xf32>
    %dot_general3A_42 = tpu.matmul %add3A_37, %get3A_40, %dot_general3A_41 {dimension_numbers = #tpu.dot_dimension_numbers<[1], [0], [0], [1], [0, 0, 1, 1], [], []>, transpose_lhs_hint = false} : vector<1x64xf32>, vector<64x27xf32>, vector<1x27xf32> -> vector<1x27xf32>
    %get3A_43 = arith.constant 0 : index
    %get3A_44 = arith.constant 0 : index
    %get3A_45 = vector.load %arg4[%get3A_43, %get3A_44] : memref<1x27xf32, #tpu.memory_space<vmem>>, vector<1x27xf32>
    %add3A_46 = arith.addf %dot_general3A_42, %get3A_45 : vector<1x27xf32>
    %swap3A = arith.constant 0 : index
    %swap3A_47 = arith.constant 0 : index
    %swap3A_48 = vector.load %arg5[%swap3A, %swap3A_47] : memref<1x27xf32, #tpu.memory_space<vmem>>, vector<1x27xf32>
    tpu.vector_store %arg5[%swap3A, %swap3A_47], %add3A_46 {strides = array<i32>} : memref<1x27xf32, #tpu.memory_space<vmem>>, vector<1x27xf32>,
    return
  }
}

</mosaic_0001>

<sc_bundles>
// kernel: _run.6.cloned.1.call-start
scs
__scs_entry_jumppad:
0x0: {  	(pc) =	sbr.rel $0x88, $3  }
0x1: {  	(tag) =	ssettag $0x0;
	lr =	simm.s32 $0x1  }
0x2: {  	[smem:$0x3F99] =	sst lr;
	_ =	strace $0xD0000000  }
0x3: {  	_ = 	snop  }
0x4: {  	_ = 	snop  }
0x5: {  	_ = 	snop  }
0x6: {  	_ = 	snop  }
0x7: {  	_ = 	snop  }
__scs_overlays_trampoline_lowered:
0x8: {  	[smem:$0x3FA8] =	sst s0  }
0x9: {  	[smem:$0x3FA9] =	sst s1  }
0xa: {  	[smem:$0x3FAA] =	sst s2  }
0xb: {  	[smem:$0x3FAB] =	sst s3  }
0xc: {  	[smem:$0x3FAC] =	sst s4  }
0xd: {  	[smem:$0x3FAD] =	sst s5  }
0xe: {  	[smem:$0x3FAE] =	sst s6  }
0xf: {  	[smem:$0x3FAF] =	sst s7  }
0x10: {  	[smem:$0x3FB0] =	sst s8  }
0x11: {  	[smem:$0x3FB1] =	sst s9;
	s0 =	simm.s32 @!p0 $0x0  }
0x12: {  	s1 =	sld [smem:$0x3F97];
	s0 =	simm.s32 @p0 $0x1  }
0x13: {  	[smem:$0x3FB2] =	sst s0;
	s0 =	simm.s32 @!p1 $0x0  }
0x14: {  	s2 =	sld [smem:$0x3F96];
	s0 =	simm.s32 @p1 $0x1  }
0x15: {  	[smem:$0x3FB3] =	sst s0;
	s0 =	simm.s32 @!p2 $0x0  }
0x16: {  	s3 =	sld [smem:$0x3FDB];
	s0 =	simm.s32 @p2 $0x1  }
0x17: {  	s4 =	simm.s32 $0x1BF5;
	[smem:$0x3FB5] =	sst s0  }
0x18: {  	s0 =	sld [smem:$0x3F98];
	_ =	swait.ge [sflag:s4], $0x0  }
0x19: {  	s7 =	sld [smem:$0x3F99]  }
0x1a: {  	s8 =	sadd.s32 $0xFFFFE003, lr  }
0x1b: {  	s9 =	sadd.s32 $0xFFFFFEF7, lr;
	s5 =	simm.s32 $0xFFFFFFFF;
	p2 =	slt.u32 s8, $0xFFFFF086  }
0x1c: {  	p1 =	slt.u32 s9, $0xF7A;
	s5 =	simm.s32 @!p2 $0x0  }
0x1d: {  	s5 =	simm.s32 @p1 $0x1;
	p0 =	seq.s32 s7, s2  }
0x1e: {  	s7 =	smul.u32 @!p0 $0xF7A, s2;
	p2 =	seq.s32 @!p0 s5, $0x0  }
0x1f: {  	s9 =	smul.u32 $0xF7A, s1;
	s8 =	simm.s32 @!p0 $0x1BF5;
	p2 =	por !p2, p0  }
0x20: {  	[sflag:s8] =	ssyncset.s32 @!p0 $0xFFFFF086;
	s6 =	sadd.s32 @!p0 s3, s7;
	s7 =	simm.s32 @!p0 $0x108  }
0x21: {  	s3 =	sadd.s32 s3, s9;
	s6 =	sadd.s32 @!p0 $0x88, s6;
	s7 =	simm.s32 @p2 $0x1082  }
0x22: {  	[simem:s7], [sflag:s8] =	dma.local @!p0 [hbm:s6], $0xF7A  }
0x23: {  	s9 =	sor.u32 $0xD0000000, s2;
	s6 =	simm.s32 $0x108;
	_ =	swait.ge @!p0 [sflag:s8], $0x0  }
0x24: {  	s3 =	sadd.s32 $0x88, s3;
	s6 =	simm.s32 @!p1 $0x1082;
	[sflag:s4] =	ssyncset.s32 $0xFFFFF086  }
0x25: {  	[simem:s6], [sflag:s4] =	dma.local [hbm:s3], $0xF7A  }
0x26: {  	[smem:$0x3F99] =	sst s1;
	(tag) =	ssettag s2;
	_ =	strace s9  }
0x27: {  	s1 =	sld [smem:$0x3FA9]  }
0x28: {  	s2 =	sld [smem:$0x3FAA]  }
0x29: {  	s4 =	sld [smem:$0x3FAC]  }
0x2a: {  	p0 =	seq.s32 s5, $0x0;
	s5 =	sld [smem:$0x3FAD]  }
0x2b: {  	s6 =	sld [smem:$0x3FAE]  }
0x2c: {  	s7 =	sld [smem:$0x3FAF]  }
0x2d: {  	s3 =	simm.s32 $0x108;
	s8 =	sld [smem:$0x3FB0]  }
0x2e: {  	s3 =	simm.s32 @!p0 $0x1082;
	s9 =	sld [smem:$0x3FB1]  }
0x2f: {  	lr =	sadd.s32 s0, s3;
	s0 =	sld [smem:$0x3FA8]  }
0x30: {  	s3 =	sld [smem:$0x3FAB]  }
0x31: {  	[smem:$0x3FB4] =	sst s10  }
0x32: {  	s10 =	sld [smem:$0x3FB2];
	_ =	sdelay $0x3  }
0x33: {  	p0 =	seq.s32 s10, $0x1;
	s10 =	sld [smem:$0x3FB4];
	_ =	sdelay $0x3  }
0x34: {  	[smem:$0x3FB4] =	sst s10  }
0x35: {  	s10 =	sld [smem:$0x3FB3];
	_ =	sdelay $0x3  }
0x36: {  	p1 =	seq.s32 s10, $0x1;
	s10 =	sld [smem:$0x3FB4];
	_ =	sdelay $0x3  }
0x37: {  	[smem:$0x3FB4] =	sst s10  }
0x38: {  	s10 =	sld [smem:$0x3FB5]  }
0x39: {  	_ = 	snop;
	(pc) =	sbr.ind lr, $3  }
0x3a: {  	_ = 	snop  }
0x3b: {  	_ = 	snop  }
0x3c: {  	p2 =	seq.s32 s10, $0x1;
	s10 =	sld [smem:$0x3FB4]  }
0x3d: {  	_ =	shalt  }
0x3e: {  	_ =	shalt  }
0x3f: {  	_ =	shalt  }
0x40: {  	_ =	shalt  }
0x41: {  	_ =	shalt  }
0x42: {  	_ =	shalt  }
0x43: {  	_ =	shalt  }
0x44: {  	_ =	shalt  }
0x45: {  	_ =	shalt  }
0x46: {  	_ =	shalt  }
0x47: {  	_ =	shalt  }
0x48: {  	_ =	shalt  }
0x49: {  	_ =	shalt  }
0x4a: {  	_ =	shalt  }
0x4b: {  	_ =	shalt  }
0x4c: {  	_ =	shalt  }
0x4d: {  	_ =	shalt  }
0x4e: {  	_ =	shalt  }
0x4f: {  	_ =	shalt  }
0x50: {  	_ =	shalt  }
0x51: {  	_ =	shalt  }
0x52: {  	_ =	shalt  }
0x53: {  	_ =	shalt  }
0x54: {  	_ =	shalt  }
0x55: {  	_ =	shalt  }
0x56: {  	_ =	shalt  }
0x57: {  	_ =	shalt  }
0x58: {  	_ =	shalt  }
0x59: {  	_ =	shalt  }
0x5a: {  	_ =	shalt  }
0x5b: {  	_ =	shalt  }
0x5c: {  	_ =	shalt  }
0x5d: {  	_ =	shalt  }
0x5e: {  	_ =	shalt  }
0x5f: {  	_ =	shalt  }
0x60: {  	_ =	shalt  }
0x61: {  	_ =	shalt  }
0x62: {  	_ =	shalt  }
0x63: {  	_ =	shalt  }
0x64: {  	_ =	shalt  }
0x65: {  	_ =	shalt  }
0x66: {  	_ =	shalt  }
0x67: {  	_ =	shalt  }
0x68: {  	_ =	shalt  }
0x69: {  	_ =	shalt  }
0x6a: {  	_ =	shalt  }
0x6b: {  	_ =	shalt  }
0x6c: {  	_ =	shalt  }
0x6d: {  	_ =	shalt  }
0x6e: {  	_ =	shalt  }
0x6f: {  	_ =	shalt  }
0x70: {  	_ =	shalt  }
0x71: {  	_ =	shalt  }
0x72: {  	_ =	shalt  }
0x73: {  	_ =	shalt  }
0x74: {  	_ =	shalt  }
0x75: {  	_ =	shalt  }
0x76: {  	_ =	shalt  }
0x77: {  	_ =	shalt  }
0x78: {  	_ =	shalt  }
0x79: {  	_ =	shalt  }
0x7a: {  	_ =	shalt  }
0x7b: {  	_ =	shalt  }
0x7c: {  	_ =	shalt  }
0x7d: {  	_ =	shalt  }
0x7e: {  	_ =	shalt  }
0x7f: {  	_ =	shalt  }
0x80: {  	_ =	shalt  }
0x81: {  	_ =	shalt  }
0x82: {  	_ =	shalt  }
0x83: {  	_ =	shalt  }
0x84: {  	_ =	shalt  }
0x85: {  	_ =	shalt  }
0x86: {  	_ =	shalt  }
0x87: {  	_ =	shalt  }
.Lfunc_end0:
.L_simem_size_0:
called_computation_lowered:
.L_overlay_start_0:
0x88: {  	s2 =	sld [smem:$0x3FD9]  }
0x89: {  	s3 =	sld [smem:$0x3FFE];
	_ =	sdelay $0x1  }
0x8a: {  	s1 =	srdreg.scid  }
0x8b: {  	s0 =	sand.u32 $0x1, s1  }
0x8c: {  	s16 =	sshll.u32 s0, $0xA;
	s2 =	sadd.s32 s3, s2  }
0x8d: {  	s2 =	sadd.s32 s2, s16  }
0x8e: {  	[smem:$0x3FC0] =	sst s2  }
0x8f: {  	_ = 	snop  }
0x90: {  	(tm) =	ssettm $0x1  }
0x91: {  	s17 =	sld [smem:$0x3FFB];
	_ =	sdelay $0x3  }
0x92: {  	_ =	strace s17  }
0x93: {  	s2 =	sld [smem:$0x3FFC];
	_ =	sdelay $0x3  }
0x94: {  	_ =	strace s2  }
0x95: {  	s2 =	sld [smem:$0x3FFD];
	_ =	sdelay $0x3  }
0x96: {  	_ =	strace s2  }
0x97: {  	_ =	strace $0x8FFFFFFF  }
0x98: {  	s18 =	sld [smem:$0x3FDB];
	_ =	sdelay $0x1  }
0x99: {  	s19 =	simm.s32 $_scs_section_size  }
0x9a: {  	s4 =	simm.s32 $_size__tile_overlayer_lowered;
	s5 =	simm.s32 $_tile_overlayer_lowered  }
0x9b: {  	s22 =	simm.s32 $0x1BFF;
	s21 =	sshll.u32 s5, $0x1;
	s2 =	sadd.s32 s19, s18  }
0x9c: {  	s6 =	simm.s32 $0x0;
	s20 =	sshll.u32 s4, $0x1;
	s4 =	sadd.s32 s21, s2  }
0x9d: {  	[timem:s6], [sflag:s22] =	dma.local [hbm:s4], s20  }
0x9e: {  	_ =	swait.ge [sflag:s22], s20  }
0x9f: {  	s3 =	ssub.s32 $0x0, s20;
	[sflag:s22] =	ssyncset.done $0x0  }
0xa0: {  	[sflag:s22] =	ssyncadd.s32 s3;
	_ =	sdelay $0x1  }
0xa1: {  	s23 =	simm.s32 $0x1B8B  }
0xa2: {  	_ =	swait.ge [sflag:s23], $0x1  }
0xa3: {  	[sflag:s23] =	ssyncset.done $0x0  }
0xa4: {  	s25 =	simm.s32 $0x1B8E;
	s24 =	sld [smem:$0x3FFE];
	[sflag:s23] =	ssyncadd.s32 $0xFFFFFFFF  }
0xa5: {  	s26 =	simm.s32 $execute0_lowered;
	[smem:$0x3FD2] =	sst s25  }
0xa6: {  	s4 =	sshll.u32 s26, $0x1;
	_ =	strace $0x80000046;
	[dreg:$0x1] =	wrdreg $0xFFFFFFFF  }
0xa7: {  	s28 =	simm.s32 $_size_execute0_lowered;
	s2 =	sadd.s32 s2, s4;
	[dreg:$0x0] =	wrdreg $0x0  }
0xa8: {  	s4 =	sshll.u32 s28, $0x1;
	[dreg:$0x2] =	wrdreg s2  }
0xa9: {  	[dreg:$0x3] =	wrdreg s4  }
0xaa: {  	[dreg:$0x4] =	wrdreg $0xC0  }
0xab: {  	_ =	task [dreg:s6], $0x5FFFF  }
0xac: {  	[dreg:$0x1] =	wrdreg $0xFFFFFFFF  }
0xad: {  	[dreg:$0x0] =	wrdreg $0x60  }
0xae: {  	[dreg:$0x2] =	wrdreg s24  }
0xaf: {  	[dreg:$0x3] =	wrdreg $0x31600  }
0xb0: {  	[dreg:$0x4] =	wrdreg $0x9  }
0xb1: {  	_ =	task.clear_ibuf [dreg:s6], $0x5FFFF;
	_ =	strace $0x90000046  }
0xb2: {  	s29 =	simm.s32 $0x9;
	_ =	strace $0x80000048  }
0xb3: {  	_ =	swait.ge [sflag:s29], $0x1  }
0xb4: {  	[sflag:s29] =	ssyncadd.s32 $0xFFFFFFFF  }
0xb5: {  	_ =	strace $0x90000048  }
0xb6: {  	_ =	sfence  }
0xb7: {  	s30 =	sld [smem:$0x0];
	_ =	sdelay $0x2  }
0xb8: {  	s31 =	sshll.u32 s1, $0xD;
	s1 =	sshrl.u32 s1, $0x2  }
0xb9: {  	s3 =	sand.u32 $0x4000, s31;
	s1 =	sadd.s32 s1, s30  }
0xba: {  	s0 =	sor.u32 s3, s0;
	s1 =	sshll.u32 s1, $0x11  }
0xbb: {  	s0 =	sor.u32 s1, s0  }
0xbc: {  	s0 =	sadd.s32 $0x8F2B, s0  }
0xbd: {  	[sflag:s0] =	ssyncadd.remote.s32 $0x1  }
0xbe: {  	_ =	sfence.sel $0xFFFF  }
0xbf: {  	[dreg:$0x0] =	wrdreg $0xFFFFFFFF;
	(pc) =	sbr.abs _section_cstart, $3  }
0xc0: {  	[dreg:$0x1] =	wrdreg $0xFFFFFFFF  }
0xc1: {  	_ =	task.clear_ibuf [dreg:s6], $0x2FFFF;
	_ =	strace $0x9FFFFFFF  }
0xc2: {  	(tm) =	ssettm $0x7FFFFFFF  }
0xc3: {  	_ =	shalt  }
tec
execute0_lowered:
.L_overlay_start_1:
0x0: {  	(tag) =	ssettag $0x1  }
0x1: {  	s4 =	rddreg [dreg:$0x0];
	s0 =	srdreg.scid  }
0x2: {  	s2 =	rddreg [dreg:$0x1];
	s1 =	stileid.u32;
	s3 =	simm.s32 $0x0  }
0x3: {  	s10 =	simm.s32 $0x7D0;
	s11 =	simm.s32 $0x2710;
	s12 =	simm.s32 $0x1  }
0x4: {  	s13 =	simm.s32 $0xFA0;
	s14 =	simm.s32 $0x1770;
	s15 =	simm.s32 $0x1F40  }
0x5: {  	s16 =	simm.s32 $0x0;
	s5 =	sand.u32 $0x1, s0;
	s6 =	smul.u32 $0x280, s1  }
0x6: {  	s0 =	rddreg [dreg:$0x2];
	s7 =	sshll.u32 s5, $0x4;
	s8 =	smul.u32 $0x2800, s5  }
0x7: {  	[smem:$0x7FF] =	sst s3;
	s5 =	ssub.s32 $0x2, s5;
	s7 =	sor.u32 s1, s7  }
0x8: {  	s9 =	sshrl.u32 s5, $0x1;
	s7 =	smul.u32 $0x2710, s7;
	s8 =	sadd.s32 s6, s8  }
0x9: {  	_ =	strace $0x80000047;
	s9 =	ssub.s32 s5, s9;
	s8 =	sshrl.u32 s8, $0x3  }
0xa: {  	s5 =	sadd.s32 s6, s2;
	s7 =	sshrl.u32 s7, $0x3;
	s8 =	sadd.s32 s8, s4  }
0xb: {  	s7 =	sadd.s32 s4, s7;
	s6 =	sadd.s32 $0x15A00, s8;
	s8 =	simm.s32 $0x2  }
0xc: {  	v0 =	vimm.f32 $1.000000000e+00;
	v1 =	vimm.f32 $0.0e+00;
	s4 =	sadd.s32 $0xBC40, s7;
	s7 =	smax.u32 s9, $0x1;
	s9 =	simm.s32 $0x2EE0  }
.LBB2_1:
0xd: {  	[tilespmem:s3], [sflag:$0x2] =	stream.linear.gather [hbm4b:s4+s3], $0x2710, $0x38;
	[tilespmem:$0x33E0] =	vst v63  }
0xe: {  	_ =	swait.ge [sflag:s8], $0x2710  }
0xf: {  	[sflag:s8] =	ssyncset.done $0x0  }
0x10: {  	s17 =	simm.s32 $0x40;
	s18 =	simm.s32 $0x0;
	[sflag:s8] =	ssyncadd.s32 $0xFFFFD8F0  }
.LBB2_2:
0x11: {  	p0 =	sne.s32 s17, $0x1F00;
	[tilespmem:s18+$0x2710] =	vst v0;
	s18 =	smov.u32 s17;
	s17 =	sadd.s32 $0x40, s17  }
.Ltmp0:
0x12: {  	(pc) =	sbr.rel @p0 .LBB2_2-.Ltmp0, $2  }
0x13: {  	_ =	sdelay $0x2  }
0x14: {  	s18 =	sshra.s32 s18, $0x2  }
0x15: {  	[tilespmem:s18+$0x2710] =	vst v0  }
0x16: {  	[tilespmem:$0x2EE0] =	vst v1  }
0x17: {  	[tilespmem:$0x2EF0] =	vst v1  }
0x18: {  	[tilespmem:$0x2F00] =	vst v1  }
0x19: {  	[tilespmem:$0x2F10] =	vst v1  }
0x1a: {  	[tilespmem:$0x2F20] =	vst v1  }
0x1b: {  	[tilespmem:$0x2F30] =	vst v1  }
0x1c: {  	[tilespmem:$0x2F40] =	vst v1  }
0x1d: {  	[tilespmem:$0x2F50] =	vst v1  }
0x1e: {  	[tilespmem:$0x2F60] =	vst v1  }
0x1f: {  	[tilespmem:$0x2F70] =	vst v1  }
0x20: {  	[tilespmem:$0x2F80] =	vst v1  }
0x21: {  	[tilespmem:$0x2F90] =	vst v1  }
0x22: {  	[tilespmem:$0x2FA0] =	vst v1  }
0x23: {  	[tilespmem:$0x2FB0] =	vst v1  }
0x24: {  	[tilespmem:$0x2FC0] =	vst v1  }
0x25: {  	[tilespmem:$0x2FD0] =	vst v1  }
0x26: {  	[tilespmem:$0x2FE0] =	vst v1  }
0x27: {  	[tilespmem:$0x2FF0] =	vst v1  }
0x28: {  	[tilespmem:$0x3000] =	vst v1  }
0x29: {  	[tilespmem:$0x3010] =	vst v1  }
0x2a: {  	[tilespmem:$0x3020] =	vst v1  }
0x2b: {  	[tilespmem:$0x3030] =	vst v1  }
0x2c: {  	[tilespmem:$0x3040] =	vst v1  }
0x2d: {  	[tilespmem:$0x3050] =	vst v1  }
0x2e: {  	[tilespmem:$0x3060] =	vst v1  }
0x2f: {  	[tilespmem:$0x3070] =	vst v1  }
0x30: {  	[tilespmem:$0x3080] =	vst v1  }
0x31: {  	[tilespmem:$0x3090] =	vst v1  }
0x32: {  	[tilespmem:$0x30A0] =	vst v1  }
0x33: {  	[tilespmem:$0x30B0] =	vst v1  }
0x34: {  	[tilespmem:$0x30C0] =	vst v1  }
0x35: {  	[tilespmem:$0x30D0] =	vst v1  }
0x36: {  	[tilespmem:$0x30E0] =	vst v1  }
0x37: {  	[tilespmem:$0x30F0] =	vst v1  }
0x38: {  	[tilespmem:$0x3100] =	vst v1  }
0x39: {  	[tilespmem:$0x3110] =	vst v1  }
0x3a: {  	[tilespmem:$0x3120] =	vst v1  }
0x3b: {  	[tilespmem:$0x3130] =	vst v1  }
0x3c: {  	[tilespmem:$0x3140] =	vst v1  }
0x3d: {  	[tilespmem:$0x3150] =	vst v1  }
0x3e: {  	[spmem:s5] =	stream.linear.scatter [tilespmem:s9], [sflag:$0x2], $0x280, $0x38;
	[tilespmem:$0x33E0] =	vst v63  }
0x3f: {  	_ =	swait.ge [sflag:s8], $0x280  }
0x40: {  	[sflag:s8] =	ssyncset.done $0x0  }
0x41: {  	[sflag:s8] =	ssyncadd.s32 $0xFFFFFD80  }
0x42: {  	[bflag:$0x0] =	sbarrier.arrive $0xFFFF  }
0x43: {  	[spmem:s2] =	stream.indirect.scatter.add.f32 [tilespmem:s11], [sflag:$0x1], $0x1, s3, s10, $0xb8;
	[tilespmem:$0x33E0] =	vst v63  }
0x44: {  	_ =	swait.ge [sflag:s12], $0x7D0  }
0x45: {  	[sflag:s12] =	ssyncset.done $0x0  }
0x46: {  	[sflag:s12] =	ssyncadd.s32 $0xFFFFF830  }
0x47: {  	[spmem:s2] =	stream.indirect.scatter.add.f32 [tilespmem:s11], [sflag:$0x1], $0x1, s10, s10, $0xb8;
	[tilespmem:$0x33E0] =	vst v63  }
0x48: {  	_ =	swait.ge [sflag:s12], $0x7D0  }
0x49: {  	[sflag:s12] =	ssyncset.done $0x0  }
0x4a: {  	[sflag:s12] =	ssyncadd.s32 $0xFFFFF830  }
0x4b: {  	[spmem:s2] =	stream.indirect.scatter.add.f32 [tilespmem:s11], [sflag:$0x1], $0x1, s13, s10, $0xb8;
	[tilespmem:$0x33E0] =	vst v63  }
0x4c: {  	_ =	swait.ge [sflag:s12], $0x7D0  }
0x4d: {  	[sflag:s12] =	ssyncset.done $0x0  }
0x4e: {  	[sflag:s12] =	ssyncadd.s32 $0xFFFFF830  }
0x4f: {  	[spmem:s2] =	stream.indirect.scatter.add.f32 [tilespmem:s11], [sflag:$0x1], $0x1, s14, s10, $0xb8;
	[tilespmem:$0x33E0] =	vst v63  }
0x50: {  	_ =	swait.ge [sflag:s12], $0x7D0  }
0x51: {  	[sflag:s12] =	ssyncset.done $0x0  }
0x52: {  	[sflag:s12] =	ssyncadd.s32 $0xFFFFF830  }
0x53: {  	[spmem:s2] =	stream.indirect.scatter.add.f32 [tilespmem:s11], [sflag:$0x1], $0x1, s15, s10, $0xb8;
	[tilespmem:$0x33E0] =	vst v63  }
0x54: {  	_ =	swait.ge [sflag:s12], $0x7D0  }
0x55: {  	[sflag:s12] =	ssyncset.done $0x0  }
0x56: {  	[sflag:s12] =	ssyncadd.s32 $0xFFFFF830  }
0x57: {  	[bflag:$0x0] =	sbarrier.arrive $0xFFFF  }
0x58: {  	[tilespmem:s9], [sflag:$0x2] =	stream.linear.gather [spmem:s5], $0x280, $0x38;
	[tilespmem:$0x33E0] =	vst v63  }
0x59: {  	s16 =	sadd.s32 $0x1, s16;
	_ =	swait.ge [sflag:s8], $0x280  }
0x5a: {  	p0 =	sne.s32 s16, s7;
	[sflag:s8] =	ssyncset.done $0x0  }
.Ltmp1:
0x5b: {  	[sflag:s8] =	ssyncadd.s32 $0xFFFFFD80;
	(pc) =	sbr.rel @p0 .LBB2_1-.Ltmp1, $4  }
0x5c: {  	[hbm4b:s6+s3] =	stream.linear.scatter [tilespmem:s9], [sflag:$0x2], $0x280, $0x38;
	[tilespmem:$0x33E0] =	vst v63  }
0x5d: {  	_ =	swait.ge [sflag:s8], $0x280  }
0x5e: {  	[sflag:s8] =	ssyncset.done $0x0  }
0x5f: {  	[sflag:s8] =	ssyncadd.s32 $0xFFFFFD80  }
0x60: {  	_ =	sfence.sel $0x180000  }
0x61: {  	[bflag:$0x0] =	sbarrier.arrive $0xFFFF  }
0x62: {  	p0 =	sne.s32 s1, $0x0;
	_ =	strace $0x90000047  }
0x63: {  	s0 =	sadd.s32 @!p0 $0x100000, s0;
	[bflag:$0x2] =	sbarrier.arrive $0xFFFF  }
0x64: {  	[sflag:s0] =	ssyncadd.tile.s32 @!p0 $0x1;
	_ =	shalt  }
.Lfunc_end2:
_tile_overlayer_lowered:
.L_overlay_start_2:
0x65: {  	(tag) =	ssettag $0x2  }
0x66: {  	s0 =	rddreg [dreg:$0x0];
	s2 =	stileid.u32  }
0x67: {  	s1 =	rddreg [dreg:$0x1];
	p0 =	sne.s32 s2, $0x0  }
0x68: {  	s3 =	rddreg [dreg:$0x2];
	[bflag:$0x3] =	sbarrier.arrive $0xFFFF;
	s2 =	simm.s32 @!p0 $0x1C02  }
0x69: {  	[timem:s3], [sflag:s2] =	dma.local @!p0 [hbm:s0], s1  }
0x6a: {  	s0 =	simm.s32 @!p0 $0x2  }
0x6b: {  	_ =	swait.ge @!p0 [sflag:s0], s1  }
0x6c: {  	s1 =	ssub.s32 @!p0 $0x0, s1;
	[sflag:s0] =	ssyncset.done @!p0 $0x0  }
0x6d: {  	[sflag:s0] =	ssyncadd.s32 @!p0 s1  }
0x6e: {  	[bflag:$0x3] =	sbarrier.arrive $0xFFFF  }
0x6f: {  	_ =	shalt  }

// kernel: _run.9.cloned.1.call-start
scs
__scs_entry_jumppad:
0x0: {  	(pc) =	sbr.rel $0x88, $3  }
0x1: {  	(tag) =	ssettag $0x0;
	lr =	simm.s32 $0x1  }
0x2: {  	[smem:$0x3F99] =	sst lr;
	_ =	strace $0xD0000000  }
0x3: {  	_ = 	snop  }
0x4: {  	_ = 	snop  }
0x5: {  	_ = 	snop  }
0x6: {  	_ = 	snop  }
0x7: {  	_ = 	snop  }
__scs_overlays_trampoline_lowered:
0x8: {  	[smem:$0x3FA8] =	sst s0  }
0x9: {  	[smem:$0x3FA9] =	sst s1  }
0xa: {  	[smem:$0x3FAA] =	sst s2  }
0xb: {  	[smem:$0x3FAB] =	sst s3  }
0xc: {  	[smem:$0x3FAC] =	sst s4  }
0xd: {  	[smem:$0x3FAD] =	sst s5  }
0xe: {  	[smem:$0x3FAE] =	sst s6  }
0xf: {  	[smem:$0x3FAF] =	sst s7  }
0x10: {  	[smem:$0x3FB0] =	sst s8  }
0x11: {  	[smem:$0x3FB1] =	sst s9;
	s0 =	simm.s32 @!p0 $0x0  }
0x12: {  	s1 =	sld [smem:$0x3F97];
	s0 =	simm.s32 @p0 $0x1  }
0x13: {  	[smem:$0x3FB2] =	sst s0;
	s0 =	simm.s32 @!p1 $0x0  }
0x14: {  	s2 =	sld [smem:$0x3F96];
	s0 =	simm.s32 @p1 $0x1  }
0x15: {  	[smem:$0x3FB3] =	sst s0;
	s0 =	simm.s32 @!p2 $0x0  }
0x16: {  	s3 =	sld [smem:$0x3FDB];
	s0 =	simm.s32 @p2 $0x1  }
0x17: {  	s4 =	simm.s32 $0x1BF5;
	[smem:$0x3FB5] =	sst s0  }
0x18: {  	s0 =	sld [smem:$0x3F98];
	_ =	swait.ge [sflag:s4], $0x0  }
0x19: {  	s7 =	sld [smem:$0x3F99]  }
0x1a: {  	s8 =	sadd.s32 $0xFFFFE003, lr  }
0x1b: {  	s9 =	sadd.s32 $0xFFFFFEF7, lr;
	s5 =	simm.s32 $0xFFFFFFFF;
	p2 =	slt.u32 s8, $0xFFFFF086  }
0x1c: {  	p1 =	slt.u32 s9, $0xF7A;
	s5 =	simm.s32 @!p2 $0x0  }
0x1d: {  	s5 =	simm.s32 @p1 $0x1;
	p0 =	seq.s32 s7, s2  }
0x1e: {  	s7 =	smul.u32 @!p0 $0xF7A, s2;
	p2 =	seq.s32 @!p0 s5, $0x0  }
0x1f: {  	s9 =	smul.u32 $0xF7A, s1;
	s8 =	simm.s32 @!p0 $0x1BF5;
	p2 =	por !p2, p0  }
0x20: {  	[sflag:s8] =	ssyncset.s32 @!p0 $0xFFFFF086;
	s6 =	sadd.s32 @!p0 s3, s7;
	s7 =	simm.s32 @!p0 $0x108  }
0x21: {  	s3 =	sadd.s32 s3, s9;
	s6 =	sadd.s32 @!p0 $0x88, s6;
	s7 =	simm.s32 @p2 $0x1082  }
0x22: {  	[simem:s7], [sflag:s8] =	dma.local @!p0 [hbm:s6], $0xF7A  }
0x23: {  	s9 =	sor.u32 $0xD0000000, s2;
	s6 =	simm.s32 $0x108;
	_ =	swait.ge @!p0 [sflag:s8], $0x0  }
0x24: {  	s3 =	sadd.s32 $0x88, s3;
	s6 =	simm.s32 @!p1 $0x1082;
	[sflag:s4] =	ssyncset.s32 $0xFFFFF086  }
0x25: {  	[simem:s6], [sflag:s4] =	dma.local [hbm:s3], $0xF7A  }
0x26: {  	[smem:$0x3F99] =	sst s1;
	(tag) =	ssettag s2;
	_ =	strace s9  }
0x27: {  	s1 =	sld [smem:$0x3FA9]  }
0x28: {  	s2 =	sld [smem:$0x3FAA]  }
0x29: {  	s4 =	sld [smem:$0x3FAC]  }
0x2a: {  	p0 =	seq.s32 s5, $0x0;
	s5 =	sld [smem:$0x3FAD]  }
0x2b: {  	s6 =	sld [smem:$0x3FAE]  }
0x2c: {  	s7 =	sld [smem:$0x3FAF]  }
0x2d: {  	s3 =	simm.s32 $0x108;
	s8 =	sld [smem:$0x3FB0]  }
0x2e: {  	s3 =	simm.s32 @!p0 $0x1082;
	s9 =	sld [smem:$0x3FB1]  }
0x2f: {  	lr =	sadd.s32 s0, s3;
	s0 =	sld [smem:$0x3FA8]  }
0x30: {  	s3 =	sld [smem:$0x3FAB]  }
0x31: {  	[smem:$0x3FB4] =	sst s10  }
0x32: {  	s10 =	sld [smem:$0x3FB2];
	_ =	sdelay $0x3  }
0x33: {  	p0 =	seq.s32 s10, $0x1;
	s10 =	sld [smem:$0x3FB4];
	_ =	sdelay $0x3  }
0x34: {  	[smem:$0x3FB4] =	sst s10  }
0x35: {  	s10 =	sld [smem:$0x3FB3];
	_ =	sdelay $0x3  }
0x36: {  	p1 =	seq.s32 s10, $0x1;
	s10 =	sld [smem:$0x3FB4];
	_ =	sdelay $0x3  }
0x37: {  	[smem:$0x3FB4] =	sst s10  }
0x38: {  	s10 =	sld [smem:$0x3FB5]  }
0x39: {  	_ = 	snop;
	(pc) =	sbr.ind lr, $3  }
0x3a: {  	_ = 	snop  }
0x3b: {  	_ = 	snop  }
0x3c: {  	p2 =	seq.s32 s10, $0x1;
	s10 =	sld [smem:$0x3FB4]  }
0x3d: {  	_ =	shalt  }
0x3e: {  	_ =	shalt  }
0x3f: {  	_ =	shalt  }
0x40: {  	_ =	shalt  }
0x41: {  	_ =	shalt  }
0x42: {  	_ =	shalt  }
0x43: {  	_ =	shalt  }
0x44: {  	_ =	shalt  }
0x45: {  	_ =	shalt  }
0x46: {  	_ =	shalt  }
0x47: {  	_ =	shalt  }
0x48: {  	_ =	shalt  }
0x49: {  	_ =	shalt  }
0x4a: {  	_ =	shalt  }
0x4b: {  	_ =	shalt  }
0x4c: {  	_ =	shalt  }
0x4d: {  	_ =	shalt  }
0x4e: {  	_ =	shalt  }
0x4f: {  	_ =	shalt  }
0x50: {  	_ =	shalt  }
0x51: {  	_ =	shalt  }
0x52: {  	_ =	shalt  }
0x53: {  	_ =	shalt  }
0x54: {  	_ =	shalt  }
0x55: {  	_ =	shalt  }
0x56: {  	_ =	shalt  }
0x57: {  	_ =	shalt  }
0x58: {  	_ =	shalt  }
0x59: {  	_ =	shalt  }
0x5a: {  	_ =	shalt  }
0x5b: {  	_ =	shalt  }
0x5c: {  	_ =	shalt  }
0x5d: {  	_ =	shalt  }
0x5e: {  	_ =	shalt  }
0x5f: {  	_ =	shalt  }
0x60: {  	_ =	shalt  }
0x61: {  	_ =	shalt  }
0x62: {  	_ =	shalt  }
0x63: {  	_ =	shalt  }
0x64: {  	_ =	shalt  }
0x65: {  	_ =	shalt  }
0x66: {  	_ =	shalt  }
0x67: {  	_ =	shalt  }
0x68: {  	_ =	shalt  }
0x69: {  	_ =	shalt  }
0x6a: {  	_ =	shalt  }
0x6b: {  	_ =	shalt  }
0x6c: {  	_ =	shalt  }
0x6d: {  	_ =	shalt  }
0x6e: {  	_ =	shalt  }
0x6f: {  	_ =	shalt  }
0x70: {  	_ =	shalt  }
0x71: {  	_ =	shalt  }
0x72: {  	_ =	shalt  }
0x73: {  	_ =	shalt  }
0x74: {  	_ =	shalt  }
0x75: {  	_ =	shalt  }
0x76: {  	_ =	shalt  }
0x77: {  	_ =	shalt  }
0x78: {  	_ =	shalt  }
0x79: {  	_ =	shalt  }
0x7a: {  	_ =	shalt  }
0x7b: {  	_ =	shalt  }
0x7c: {  	_ =	shalt  }
0x7d: {  	_ =	shalt  }
0x7e: {  	_ =	shalt  }
0x7f: {  	_ =	shalt  }
0x80: {  	_ =	shalt  }
0x81: {  	_ =	shalt  }
0x82: {  	_ =	shalt  }
0x83: {  	_ =	shalt  }
0x84: {  	_ =	shalt  }
0x85: {  	_ =	shalt  }
0x86: {  	_ =	shalt  }
0x87: {  	_ =	shalt  }
.Lfunc_end0:
.L_simem_size_0:
called_computation.1_lowered:
.L_overlay_start_0:
0x88: {  	s2 =	sld [smem:$0x3FD9]  }
0x89: {  	s3 =	sld [smem:$0x3FFE];
	_ =	sdelay $0x1  }
0x8a: {  	s1 =	srdreg.scid  }
0x8b: {  	s0 =	sand.u32 $0x1, s1  }
0x8c: {  	s16 =	sshll.u32 s0, $0xA;
	s2 =	sadd.s32 s3, s2  }
0x8d: {  	s2 =	sadd.s32 s2, s16  }
0x8e: {  	[smem:$0x3FC0] =	sst s2  }
0x8f: {  	_ = 	snop  }
0x90: {  	(tm) =	ssettm $0x1  }
0x91: {  	s17 =	sld [smem:$0x3FFB];
	_ =	sdelay $0x3  }
0x92: {  	_ =	strace s17  }
0x93: {  	s2 =	sld [smem:$0x3FFC];
	_ =	sdelay $0x3  }
0x94: {  	_ =	strace s2  }
0x95: {  	s2 =	sld [smem:$0x3FFD];
	_ =	sdelay $0x3  }
0x96: {  	_ =	strace s2  }
0x97: {  	_ =	strace $0x8FFFFFFF  }
0x98: {  	s18 =	sld [smem:$0x3FDB];
	_ =	sdelay $0x1  }
0x99: {  	s19 =	simm.s32 $_scs_section_size  }
0x9a: {  	s4 =	simm.s32 $_size__tile_overlayer_lowered;
	s5 =	simm.s32 $_tile_overlayer_lowered  }
0x9b: {  	s22 =	simm.s32 $0x1BFF;
	s21 =	sshll.u32 s5, $0x1;
	s2 =	sadd.s32 s19, s18  }
0x9c: {  	s6 =	simm.s32 $0x0;
	s20 =	sshll.u32 s4, $0x1;
	s4 =	sadd.s32 s21, s2  }
0x9d: {  	[timem:s6], [sflag:s22] =	dma.local [hbm:s4], s20  }
0x9e: {  	_ =	swait.ge [sflag:s22], s20  }
0x9f: {  	s3 =	ssub.s32 $0x0, s20;
	[sflag:s22] =	ssyncset.done $0x0  }
0xa0: {  	[sflag:s22] =	ssyncadd.s32 s3;
	_ =	sdelay $0x1  }
0xa1: {  	s23 =	simm.s32 $0x1B8B  }
0xa2: {  	_ =	swait.ge [sflag:s23], $0x1  }
0xa3: {  	[sflag:s23] =	ssyncset.done $0x0  }
0xa4: {  	s25 =	simm.s32 $0x1B8E;
	s24 =	sld [smem:$0x3FFE];
	[sflag:s23] =	ssyncadd.s32 $0xFFFFFFFF  }
0xa5: {  	s26 =	simm.s32 $execute0_lowered;
	[smem:$0x3FD2] =	sst s25  }
0xa6: {  	s4 =	sshll.u32 s26, $0x1;
	_ =	strace $0x80000049;
	[dreg:$0x1] =	wrdreg $0xFFFFFFFF  }
0xa7: {  	s28 =	simm.s32 $_size_execute0_lowered;
	s2 =	sadd.s32 s2, s4;
	[dreg:$0x0] =	wrdreg $0x0  }
0xa8: {  	s4 =	sshll.u32 s28, $0x1;
	[dreg:$0x2] =	wrdreg s2  }
0xa9: {  	[dreg:$0x3] =	wrdreg s4  }
0xaa: {  	[dreg:$0x4] =	wrdreg $0xC0  }
0xab: {  	_ =	task [dreg:s6], $0x5FFFF  }
0xac: {  	[dreg:$0x1] =	wrdreg $0xFFFFFFFF  }
0xad: {  	[dreg:$0x0] =	wrdreg $0x60  }
0xae: {  	[dreg:$0x2] =	wrdreg s24  }
0xaf: {  	[dreg:$0x3] =	wrdreg $0x19FA00  }
0xb0: {  	[dreg:$0x4] =	wrdreg $0x177A00  }
0xb1: {  	[dreg:$0x5] =	wrdreg $0x9  }
0xb2: {  	_ =	task.clear_ibuf [dreg:s6], $0x6FFFF;
	_ =	strace $0x90000049  }
0xb3: {  	s29 =	simm.s32 $0x9;
	_ =	strace $0x8000004B  }
0xb4: {  	_ =	swait.ge [sflag:s29], $0x1  }
0xb5: {  	[sflag:s29] =	ssyncadd.s32 $0xFFFFFFFF  }
0xb6: {  	_ =	strace $0x9000004B  }
0xb7: {  	_ =	sfence  }
0xb8: {  	s30 =	sld [smem:$0x0];
	_ =	sdelay $0x2  }
0xb9: {  	s31 =	sshll.u32 s1, $0xD;
	s1 =	sshrl.u32 s1, $0x2  }
0xba: {  	s3 =	sand.u32 $0x4000, s31;
	s1 =	sadd.s32 s1, s30  }
0xbb: {  	s0 =	sor.u32 s3, s0;
	s1 =	sshll.u32 s1, $0x11  }
0xbc: {  	s0 =	sor.u32 s1, s0  }
0xbd: {  	s0 =	sadd.s32 $0x8F2B, s0  }
0xbe: {  	[sflag:s0] =	ssyncadd.remote.s32 $0x1  }
0xbf: {  	_ =	sfence.sel $0xFFFF  }
0xc0: {  	[dreg:$0x0] =	wrdreg $0xFFFFFFFF;
	(pc) =	sbr.abs _section_cstart, $3  }
0xc1: {  	[dreg:$0x1] =	wrdreg $0xFFFFFFFF  }
0xc2: {  	_ =	task.clear_ibuf [dreg:s6], $0x2FFFF;
	_ =	strace $0x9FFFFFFF  }
0xc3: {  	(tm) =	ssettm $0x7FFFFFFF  }
tec
execute0_lowered:
.L_overlay_start_1:
0x0: {  	(tag) =	ssettag $0x1  }
0x1: {  	s0 =	rddreg [dreg:$0x0]  }
0x2: {  	s1 =	rddreg [dreg:$0x1];
	s2 =	srdreg.scid  }
0x3: {  	s3 =	rddreg [dreg:$0x2];
	s8 =	stileid.u32  }
0x4: {  	s4 =	simm.s32 $0x0;
	s14 =	simm.s32 $0x5;
	s15 =	simm.s32 $0x2710  }
0x5: {  	s18 =	simm.s32 $0x7D0;
	s19 =	simm.s32 $0x4E20;
	s20 =	simm.s32 $0x1  }
0x6: {  	s21 =	simm.s32 $0xCB20;
	s22 =	simm.s32 $0x3;
	s23 =	simm.s32 $0x2  }
0x7: {  	s26 =	simm.s32 $0x4;
	s16 =	simm.s32 $0x0;
	s2 =	sand.u32 $0x1, s2  }
0x8: {  	s11 =	smul.u32 $0x2800, s8;
	[smem:$0x7FF] =	sst s4;
	s5 =	sshll.u32 s2, $0x4  }
0x9: {  	_ =	strace $0x8000004A;
	s6 =	smul.u32 $0x28000, s2;
	s2 =	ssub.s32 $0x2, s2  }
0xa: {  	s5 =	sor.u32 s8, s5;
	s7 =	sshrl.u32 s11, $0x3;
	s8 =	smul.u32 $0x280, s8  }
0xb: {  	s31 =	sshrl.u32 s2, $0x1;
	s9 =	sadd.s32 s11, s1;
	s5 =	smul.u32 $0x2710, s5  }
0xc: {  	s10 =	sadd.s32 s7, s0;
	s29 =	sadd.s32 s11, s6;
	s2 =	ssub.s32 s2, s31  }
0xd: {  	s11 =	sadd.s32 s11, s3;
	s30 =	sshrl.u32 s8, $0x3;
	s10 =	sadd.s32 $0x16400, s10  }
0xe: {  	s13 =	smax.u32 s2, $0x1;
	s2 =	simm.s32 $0x14820;
	s5 =	sshrl.u32 s5, $0x3  }
0xf: {  	s8 =	sadd.s32 s30, s0;
	s28 =	sadd.s32 s5, s0;
	s5 =	sshrl.u32 s29, $0x3  }
0x10: {  	s7 =	sadd.s32 $0x15A00, s8;
	s8 =	sadd.s32 $0x15F00, s8;
	s0 =	sadd.s32 s5, s0  }
0x11: {  	v0 =	vimm.f32 $0.0e+00;
	s5 =	sadd.s32 $0x2000, s28;
	s6 =	sadd.s32 $0xBC40, s28;
	s12 =	sadd.s32 $0x1B400, s0  }
.LBB2_1:
0x12: {  	[tilespmem:s4], [sflag:$0x5] =	stream.linear.gather [hbm4b:s5+s4], $0x2710, $0x38;
	[tilespmem:$0x1C7A0] =	vst v63  }
0x13: {  	_ =	swait.ge [sflag:s14], $0x2710  }
0x14: {  	[sflag:s14] =	ssyncset.done $0x0  }
0x15: {  	[sflag:s14] =	ssyncadd.s32 $0xFFFFD8F0  }
0x16: {  	[tilespmem:s15], [sflag:$0x5] =	stream.linear.gather [hbm4b:s6+s4], $0x2710, $0x38;
	[tilespmem:$0x1C7A0] =	vst v63  }
0x17: {  	_ =	swait.ge [sflag:s14], $0x2710  }
0x18: {  	[sflag:s14] =	ssyncset.done $0x0  }
0x19: {  	s0 =	simm.s32 $0x17020;
	[sflag:s14] =	ssyncadd.s32 $0xFFFFD8F0  }
0x1a: {  	[tilespmem:s0], [sflag:$0x5] =	stream.linear.gather [hbm4b:s7+s4], $0x280, $0x38;
	[tilespmem:$0x1C7A0] =	vst v63  }
0x1b: {  	_ =	swait.ge [sflag:s14], $0x280  }
0x1c: {  	[sflag:s14] =	ssyncset.done $0x0  }
0x1d: {  	s25 =	simm.s32 $0x172A0;
	[sflag:s14] =	ssyncadd.s32 $0xFFFFFD80  }
0x1e: {  	[tilespmem:s25], [sflag:$0x5] =	stream.linear.gather [hbm4b:s8+s4], $0x280, $0x38;
	[tilespmem:$0x1C7A0] =	vst v63  }
0x1f: {  	_ =	swait.ge [sflag:s14], $0x280  }
0x20: {  	[sflag:s14] =	ssyncset.done $0x0  }
0x21: {  	s24 =	simm.s32 $0x0;
	[sflag:s14] =	ssyncadd.s32 $0xFFFFFD80  }
0x22: {  	v1 =	vld [tilespmem:s24+$0x17020]  }
0x23: {  	v2 =	vld [tilespmem:s24+$0x172A0];
	_ =	sdelay $0x3  }
0x24: {  	s17 =	simm.s32 $0x10  }
0x25: {  	v3 =	vld [tilespmem:s17+$0x17020];
	v1 =	vadd.f32 v2, v1  }
0x26: {  	v2 =	vld [tilespmem:s17+$0x172A0]  }
0x27: {  	v1 =	vmax.f32 v1, $1.000000000e+00  }
0x28: {  	v4 =	vshrl.u32 v1, $0x1;
	v5 =	vmul.f32 $5.000000000e-01, v1  }
0x29: {  	s25 =	simm.s32 $0x20;
	v4 =	vsub.s32 $0x5F3759DF, v4  }
0x2a: {  	v6 =	vld [tilespmem:s25+$0x17020];
	v1 =	vmul.f32 v4, v5  }
0x2b: {  	v2 =	vadd.f32 v2, v3;
	v3 =	vld [tilespmem:s25+$0x172A0]  }
0x2c: {  	v7 =	vmul.f32 v4, v1  }
0x2d: {  	v1 =	vmax.f32 v2, $1.000000000e+00  }
0x2e: {  	s28 =	simm.s32 $0x30;
	v2 =	vshrl.u32 v1, $0x1;
	v1 =	vmul.f32 $5.000000000e-01, v1;
	v7 =	vsub.f32 $1.500000000e+00, v7  }
0x2f: {  	s29 =	simm.s32 $0x40;
	v8 =	vld [tilespmem:s28+$0x17020];
	v2 =	vsub.s32 $0x5F3759DF, v2  }
0x30: {  	v11 =	vld [tilespmem:s29+$0x17020];
	v3 =	vadd.f32 v3, v6;
	v6 =	vmul.f32 v2, v1;
	v4 =	vmul.f32 v4, v7  }
0x31: {  	v7 =	vld [tilespmem:s28+$0x172A0]  }
0x32: {  	v13 =	vld [tilespmem:s29+$0x172A0];
	v3 =	vmax.f32 v3, $1.000000000e+00;
	v6 =	vmul.f32 v2, v6;
	v9 =	vmul.f32 v4, v5  }
0x33: {  	v10 =	vshrl.u32 v3, $0x1;
	v3 =	vmul.f32 $5.000000000e-01, v3  }
0x34: {  	v6 =	vsub.f32 $1.500000000e+00, v6;
	v10 =	vsub.s32 $0x5F3759DF, v10;
	v9 =	vmul.f32 v9, v4  }
0x35: {  	v12 =	vmul.f32 v10, v3  }
0x36: {  	v7 =	vadd.f32 v7, v8;
	v8 =	vmul.f32 v2, v6;
	v2 =	vsub.f32 $1.500000000e+00, v9  }
0x37: {  	v11 =	vadd.f32 v13, v11;
	v6 =	vmul.f32 v10, v12  }
0x38: {  	v7 =	vmax.f32 v7, $1.000000000e+00;
	v9 =	vmul.f32 v8, v1;
	v2 =	vmul.f32 v2, v4  }
0x39: {  	v12 =	vshrl.u32 v7, $0x1;
	v4 =	vmul.f32 $5.000000000e-01, v7;
	v7 =	vsub.f32 $1.500000000e+00, v6  }
0x3a: {  	s30 =	simm.s32 $0x50;
	v9 =	vmul.f32 v9, v8;
	v6 =	vsub.s32 $0x5F3759DF, v12;
	v12 =	vmul.f32 v2, v5  }
0x3b: {  	v13 =	vmul.f32 v6, v4;
	v5 =	vmul.f32 v10, v7;
	v10 =	vld [tilespmem:s30+$0x17020]  }
0x3c: {  	v7 =	vsub.f32 $1.500000000e+00, v9;
	v9 =	vmul.f32 v12, v2;
	v12 =	vmax.f32 v11, $1.000000000e+00;
	v11 =	vld [tilespmem:s30+$0x172A0]  }
0x3d: {  	v13 =	vmul.f32 v6, v13;
	v15 =	vmul.f32 v5, v3  }
0x3e: {  	v14 =	vshrl.u32 v12, $0x1;
	v7 =	vmul.f32 v7, v8;
	v9 =	vsub.f32 $1.500000000e+00, v9  }
0x3f: {  	s31 =	simm.s32 $0x180;
	v8 =	vmul.f32 $5.000000000e-01, v12;
	v13 =	vsub.f32 $1.500000000e+00, v13;
	v12 =	vmul.f32 v15, v5  }
.LBB2_2:
0x40: {  	s0 =	sshra.s32 s31, $0x2;
	v14 =	vsub.s32 $0x5F3759DF, v14;
	v15 =	vmul.f32 v7, v1;
	v9 =	vmul.f32 v9, v2;
	v2 =	vmovc v7;
	v1 =	vmovc v3;
	p0 =	sne.s32 s31, $0x9C0  }
.Ltmp0:
0x41: {  	v7 =	vadd.f32 v11, v10;
	v10 =	vld [tilespmem:s0+$0x17020];
	v16 =	vmul.f32 v14, v8;
	v13 =	vmul.f32 v6, v13;
	v6 =	vmovc v14;
	(pc) =	sbr.rel @p0 .LBB2_2-.Ltmp0, $4  }
0x42: {  	v3 =	vmovc v4;
	v12 =	vsub.f32 $1.500000000e+00, v12;
	v4 =	vmov v8;
	v11 =	vld [tilespmem:s0+$0x172A0];
	v15 =	vmul.f32 v15, v2;
	[tilespmem:s24+$0x17520] =	vst v9;
	s24 =	smov.u32 s17;
	s17 =	smov.u32 s25;
	s25 =	smov.u32 s28  }
0x43: {  	s31 =	sadd.s32 $0x40, s31;
	s28 =	smov.u32 s29;
	v8 =	vmax.f32 v7, $1.000000000e+00;
	v16 =	vmul.f32 v6, v16;
	v17 =	vmul.f32 v13, v3  }
0x44: {  	s29 =	smov.u32 s30;
	s30 =	smov.u32 s0;
	v7 =	vmul.f32 v12, v5;
	v5 =	vmovc v13;
	v14 =	vshrl.u32 v8, $0x1;
	v9 =	vsub.f32 $1.500000000e+00, v15  }
0x45: {  	v8 =	vmul.f32 $5.000000000e-01, v8;
	v13 =	vsub.f32 $1.500000000e+00, v16;
	v12 =	vmul.f32 v17, v5  }
0x46: {  	_ = 	snop  }
0x47: {  	v10 =	vadd.f32 v11, v10;
	_ =	sdelay $0x1  }
0x48: {  	v10 =	vmax.f32 v10, $1.000000000e+00  }
0x49: {  	v51 =	vsub.s32 $0x5F3759DF, v14;
	v52 =	vshrl.u32 v10, $0x1;
	v10 =	vmul.f32 $5.000000000e-01, v10  }
0x4a: {  	v15 =	vmul.f32 v51, v8;
	v14 =	vsub.s32 $0x5F3759DF, v52  }
0x4b: {  	v16 =	vmul.f32 v14, v10  }
0x4c: {  	v15 =	vmul.f32 v51, v15  }
0x4d: {  	v16 =	vmul.f32 v14, v16  }
0x4e: {  	v15 =	vsub.f32 $1.500000000e+00, v15  }
0x4f: {  	v6 =	vmul.f32 v6, v13;
	v53 =	vsub.f32 $1.500000000e+00, v16  }
0x50: {  	v11 =	vmul.f32 v51, v15  }
0x51: {  	v54 =	vmul.f32 v6, v4;
	v13 =	vmul.f32 v14, v53  }
0x52: {  	v55 =	vmul.f32 v11, v8  }
0x53: {  	v15 =	vmul.f32 v54, v6;
	v56 =	vmul.f32 v13, v10  }
0x54: {  	v12 =	vsub.f32 $1.500000000e+00, v12;
	v14 =	vmul.f32 v55, v11  }
0x55: {  	v1 =	vmul.f32 v7, v1;
	v15 =	vsub.f32 $1.500000000e+00, v15;
	v16 =	vmul.f32 v56, v13  }
0x56: {  	v5 =	vmul.f32 v12, v5;
	v57 =	vsub.f32 $1.500000000e+00, v14  }
0x57: {  	v1 =	vmul.f32 v1, v7;
	v6 =	vmul.f32 v15, v6;
	v58 =	vsub.f32 $1.500000000e+00, v16  }
0x58: {  	v3 =	vmul.f32 v5, v3;
	v11 =	vmul.f32 v57, v11  }
0x59: {  	v59 =	vmul.f32 v6, v4;
	v60 =	vmul.f32 v58, v13  }
0x5a: {  	v3 =	vmul.f32 v3, v5;
	v61 =	vmul.f32 v11, v8  }
0x5b: {  	v1 =	vsub.f32 $1.500000000e+00, v1;
	v4 =	vmul.f32 v59, v6;
	v10 =	vmul.f32 v60, v10  }
0x5c: {  	v2 =	vmul.f32 v9, v2;
	v3 =	vsub.f32 $1.500000000e+00, v3;
	v8 =	vmul.f32 v61, v11  }
0x5d: {  	v1 =	vmul.f32 v1, v7;
	v4 =	vsub.f32 $1.500000000e+00, v4;
	v62 =	vmul.f32 v10, v60  }
0x5e: {  	[tilespmem:s24+$0x17520] =	vst v2;
	v2 =	vmul.f32 v3, v5;
	v3 =	vsub.f32 $1.500000000e+00, v8  }
0x5f: {  	[tilespmem:s17+$0x17520] =	vst v1;
	v1 =	vmul.f32 v4, v6;
	v63 =	vsub.f32 $1.500000000e+00, v62  }
0x60: {  	[tilespmem:s25+$0x17520] =	vst v2;
	v2 =	vmul.f32 v3, v11  }
0x61: {  	[tilespmem:s28+$0x17520] =	vst v1;
	v1 =	vmul.f32 v63, v60  }
0x62: {  	[tilespmem:s29+$0x17520] =	vst v2  }
0x63: {  	s24 =	simm.s32 $0x0;
	s17 =	simm.s32 $0x40;
	[tilespmem:s30+$0x17520] =	vst v1  }
.LBB2_4:
0x64: {  	p0 =	sne.s32 s17, $0x9FC0;
	[tilespmem:s24+$0x14820] =	vst v0;
	s0 =	smov.u32 s17;
	s17 =	sadd.s32 $0x40, s17  }
.Ltmp1:
0x65: {  	(pc) =	sbr.rel @p0 .LBB2_4-.Ltmp1, $2  }
0x66: {  	_ =	sdelay $0x2  }
0x67: {  	s24 =	sshra.s32 s0, $0x2  }
0x68: {  	[tilespmem:s24+$0x14820] =	vst v0;
	s17 =	simm.s32 $0x14820  }
0x69: {  	[spmem:s9] =	stream.linear.scatter [tilespmem:s17], [sflag:$0x5], $0x2800, $0x38;
	[tilespmem:$0x1C7A0] =	vst v63  }
0x6a: {  	_ =	swait.ge [sflag:s14], $0x2800  }
0x6b: {  	[sflag:s14] =	ssyncset.done $0x0  }
0x6c: {  	s24 =	simm.s32 $0x0;
	[sflag:s14] =	ssyncadd.s32 $0xFFFFD800  }
0x6d: {  	[tilespmem:s17], [sflag:$0x5] =	stream.linear.gather [hbm4b:s10+s24], $0x2800, $0x38;
	[tilespmem:$0x1C7A0] =	vst v63  }
0x6e: {  	_ =	swait.ge [sflag:s14], $0x2800  }
0x6f: {  	[sflag:s14] =	ssyncset.done $0x0  }
0x70: {  	[sflag:s14] =	ssyncadd.s32 $0xFFFFD800  }
.LBB2_6:
0x71: {  	s0 =	sshll.u32 s24, $0x4  }
0x72: {  	v1 =	vld [tilespmem:s0+$0x17520];
	_ =	sdelay $0x1  }
0x73: {  	v2 =	vld [tilespmem:s17+$0x0];
	s28 =	simm.s32 $0x1;
	s29 =	simm.s32 $0x0;
	s25 =	smov.u32 s17  }
.LBB2_7:
0x74: {  	p0 =	sne.s32 s28, $0xF  }
0x75: {  	v3 =	vmov s29;
	s29 =	smov.u32 s28  }
0x76: {  	v3 =	vperm.xlane v1, v3  }
.Ltmp2:
0x77: {  	(pc) =	sbr.rel @p0 .LBB2_7-.Ltmp2, $3  }
0x78: {  	v2 =	vmul.f32 v2, v3;
	_ =	sdelay $0x1  }
0x79: {  	[tilespmem:s25+$0x0] =	vst v2;
	s25 =	sadd.s32 $0x10, s25  }
0x7a: {  	s28 =	sadd.s32 $0x1, s28;
	v2 =	vld [tilespmem:s25+$0x0]  }
0x7b: {  	s24 =	sadd.s32 $0x1, s24  }
0x7c: {  	v3 =	vmov s29;
	p0 =	sne.s32 s24, $0x28  }
.Ltmp3:
0x7d: {  	v1 =	vperm.xlane v1, v3;
	(pc) =	sbr.rel @p0 .LBB2_6-.Ltmp3, $3  }
0x7e: {  	_ = 	snop  }
0x7f: {  	v1 =	vmul.f32 v2, v1;
	_ =	sdelay $0x1  }
0x80: {  	s17 =	sadd.s32 $0x100, s17;
	[tilespmem:s25+$0x0] =	vst v1  }
0x81: {  	s17 =	simm.s32 $0x14820  }
0x82: {  	[spmem:s11] =	stream.linear.scatter [tilespmem:s17], [sflag:$0x5], $0x2800, $0x38;
	[tilespmem:$0x1C7A0] =	vst v63  }
0x83: {  	_ =	swait.ge [sflag:s14], $0x2800  }
0x84: {  	[sflag:s14] =	ssyncset.done $0x0  }
0x85: {  	[sflag:s14] =	ssyncadd.s32 $0xFFFFD800  }
0x86: {  	s24 =	simm.s32 $0x0;
	[bflag:$0x0] =	sbarrier.arrive $0xFFFF  }
0x87: {  	[tilespmem:s19], [sflag:$0x1] =	stream.indirect.gather [spmem:s3], $0x10, s24, s18, $0xb8;
	[tilespmem:$0x1C7A0] =	vst v63  }
0x88: {  	_ =	swait.ge [sflag:s20], $0x7D00  }
0x89: {  	[sflag:s20] =	ssyncset.done $0x0  }
0x8a: {  	[sflag:s20] =	ssyncadd.s32 $0xFFFF8300  }
0x8b: {  	[tilespmem:s21], [sflag:$0x2] =	stream.indirect.gather [spmem:s3], $0x10, s18, s18, $0xb8;
	[tilespmem:$0x1C7A0] =	vst v63  }
0x8c: {  	_ = 	snop  }
0x8d: {  	[spmem:s1] =	stream.indirect.scatter.add.f32 [tilespmem:s19], [sflag:$0x3], $0x10, s15, s18, $0xb8;
	[tilespmem:$0x1C7A0] =	vst v63  }
0x8e: {  	_ =	swait.ge [sflag:s22], $0x7D00  }
0x8f: {  	[sflag:s22] =	ssyncset.done $0x0  }
0x90: {  	[sflag:s22] =	ssyncadd.s32 $0xFFFF8300  }
0x91: {  	_ =	swait.ge [sflag:s23], $0x7D00  }
0x92: {  	[sflag:s23] =	ssyncset.done $0x0  }
0x93: {  	s0 =	simm.s32 $0xFA0;
	[sflag:s23] =	ssyncadd.s32 $0xFFFF8300  }
0x94: {  	[tilespmem:s19], [sflag:$0x1] =	stream.indirect.gather [spmem:s3], $0x10, s0, s18, $0xb8;
	[tilespmem:$0x1C7A0] =	vst v63  }
0x95: {  	s31 =	simm.s32 $0x2EE0  }
0x96: {  	[spmem:s1] =	stream.indirect.scatter.add.f32 [tilespmem:s21], [sflag:$0x4], $0x10, s31, s18, $0xb8;
	[tilespmem:$0x1C7A0] =	vst v63  }
0x97: {  	_ =	swait.ge [sflag:s26], $0x7D00  }
0x98: {  	[sflag:s26] =	ssyncset.done $0x0  }
0x99: {  	[sflag:s26] =	ssyncadd.s32 $0xFFFF8300  }
0x9a: {  	_ =	swait.ge [sflag:s20], $0x7D00  }
0x9b: {  	[sflag:s20] =	ssyncset.done $0x0  }
0x9c: {  	s25 =	simm.s32 $0x1770;
	[sflag:s20] =	ssyncadd.s32 $0xFFFF8300  }
0x9d: {  	[tilespmem:s21], [sflag:$0x2] =	stream.indirect.gather [spmem:s3], $0x10, s25, s18, $0xb8;
	[tilespmem:$0x1C7A0] =	vst v63  }
0x9e: {  	s28 =	simm.s32 $0x36B0  }
0x9f: {  	[spmem:s1] =	stream.indirect.scatter.add.f32 [tilespmem:s19], [sflag:$0x3], $0x10, s28, s18, $0xb8;
	[tilespmem:$0x1C7A0] =	vst v63  }
0xa0: {  	_ =	swait.ge [sflag:s22], $0x7D00  }
0xa1: {  	[sflag:s22] =	ssyncset.done $0x0  }
0xa2: {  	[sflag:s22] =	ssyncadd.s32 $0xFFFF8300  }
0xa3: {  	_ =	swait.ge [sflag:s23], $0x7D00  }
0xa4: {  	[sflag:s23] =	ssyncset.done $0x0  }
0xa5: {  	s29 =	simm.s32 $0x1F40;
	[sflag:s23] =	ssyncadd.s32 $0xFFFF8300  }
0xa6: {  	[tilespmem:s19], [sflag:$0x1] =	stream.indirect.gather [spmem:s3], $0x10, s29, s18, $0xb8;
	[tilespmem:$0x1C7A0] =	vst v63  }
0xa7: {  	s30 =	simm.s32 $0x3E80  }
0xa8: {  	[spmem:s1] =	stream.indirect.scatter.add.f32 [tilespmem:s21], [sflag:$0x4], $0x10, s30, s18, $0xb8;
	[tilespmem:$0x1C7A0] =	vst v63  }
0xa9: {  	_ =	swait.ge [sflag:s26], $0x7D00  }
0xaa: {  	[sflag:s26] =	ssyncset.done $0x0  }
0xab: {  	[sflag:s26] =	ssyncadd.s32 $0xFFFF8300  }
0xac: {  	_ =	swait.ge [sflag:s20], $0x7D00  }
0xad: {  	[sflag:s20] =	ssyncset.done $0x0  }
0xae: {  	s31 =	simm.s32 $0x4650;
	[sflag:s20] =	ssyncadd.s32 $0xFFFF8300  }
0xaf: {  	[spmem:s1] =	stream.indirect.scatter.add.f32 [tilespmem:s19], [sflag:$0x3], $0x10, s31, s18, $0xb8;
	[tilespmem:$0x1C7A0] =	vst v63  }
0xb0: {  	_ =	swait.ge [sflag:s22], $0x7D00  }
0xb1: {  	[sflag:s22] =	ssyncset.done $0x0  }
0xb2: {  	[sflag:s22] =	ssyncadd.s32 $0xFFFF8300  }
0xb3: {  	[bflag:$0x0] =	sbarrier.arrive $0xFFFF  }
0xb4: {  	[tilespmem:s17], [sflag:$0x5] =	stream.linear.gather [spmem:s9], $0x2800, $0x38;
	[tilespmem:$0x1C7A0] =	vst v63  }
0xb5: {  	_ =	swait.ge [sflag:s14], $0x2800  }
0xb6: {  	[sflag:s14] =	ssyncset.done $0x0  }
0xb7: {  	[sflag:s14] =	ssyncadd.s32 $0xFFFFD800  }
.LBB2_10:
0xb8: {  	s0 =	sshll.u32 s24, $0x4  }
0xb9: {  	v1 =	vld [tilespmem:s0+$0x17520];
	_ =	sdelay $0x1  }
0xba: {  	v2 =	vld [tilespmem:s17+$0x0];
	s28 =	simm.s32 $0x1;
	s29 =	simm.s32 $0x0;
	s25 =	smov.u32 s17  }
.LBB2_11:
0xbb: {  	p0 =	sne.s32 s28, $0xF  }
0xbc: {  	v3 =	vmov s29;
	s29 =	smov.u32 s28  }
0xbd: {  	v3 =	vperm.xlane v1, v3  }
.Ltmp4:
0xbe: {  	(pc) =	sbr.rel @p0 .LBB2_11-.Ltmp4, $3  }
0xbf: {  	v2 =	vmul.f32 v2, v3;
	_ =	sdelay $0x1  }
0xc0: {  	[tilespmem:s25+$0x0] =	vst v2;
	s25 =	sadd.s32 $0x10, s25  }
0xc1: {  	s28 =	sadd.s32 $0x1, s28;
	v2 =	vld [tilespmem:s25+$0x0]  }
0xc2: {  	s24 =	sadd.s32 $0x1, s24  }
0xc3: {  	v3 =	vmov s29;
	p0 =	sne.s32 s24, $0x28  }
.Ltmp5:
0xc4: {  	v1 =	vperm.xlane v1, v3;
	(pc) =	sbr.rel @p0 .LBB2_10-.Ltmp5, $3  }
0xc5: {  	_ = 	snop  }
0xc6: {  	v1 =	vmul.f32 v2, v1;
	_ =	sdelay $0x1  }
0xc7: {  	s17 =	sadd.s32 $0x100, s17;
	[tilespmem:s25+$0x0] =	vst v1  }
0xc8: {  	s16 =	sadd.s32 $0x1, s16  }
0xc9: {  	p0 =	sne.s32 s16, s13  }
.Ltmp6:
0xca: {  	_ = 	snop;
	(pc) =	sbr.rel @p0 .LBB2_1-.Ltmp6, $4  }
0xcb: {  	[hbm4b:s12+s4] =	stream.linear.scatter [tilespmem:s2], [sflag:$0x5], $0x2800, $0x38;
	[tilespmem:$0x1C7A0] =	vst v63  }
0xcc: {  	_ =	swait.ge [sflag:s14], $0x2800  }
0xcd: {  	[sflag:s14] =	ssyncset.done $0x0  }
0xce: {  	[sflag:s14] =	ssyncadd.s32 $0xFFFFD800  }
0xcf: {  	_ =	sfence.sel $0x180000  }
0xd0: {  	[bflag:$0x0] =	sbarrier.arrive $0xFFFF  }
0xd1: {  	_ =	strace $0x9000004A  }
0xd2: {  	s0 =	stileid.u32;
	[bflag:$0x2] =	sbarrier.arrive $0xFFFF  }
0xd3: {  	p0 =	sne.s32 s0, $0x0;
	s0 =	rddreg [dreg:$0x3]  }
0xd4: {  	s0 =	sadd.s32 @!p0 $0x100000, s0  }
0xd5: {  	[sflag:s0] =	ssyncadd.tile.s32 @!p0 $0x1;
	_ =	shalt  }
.Lfunc_end2:
_tile_overlayer_lowered:
.L_overlay_start_2:
0xd6: {  	(tag) =	ssettag $0x2  }
0xd7: {  	s0 =	rddreg [dreg:$0x0];
	s2 =	stileid.u32  }
0xd8: {  	s1 =	rddreg [dreg:$0x1];
	p0 =	sne.s32 s2, $0x0  }
0xd9: {  	s3 =	rddreg [dreg:$0x2];
	[bflag:$0x3] =	sbarrier.arrive $0xFFFF;
	s2 =	simm.s32 @!p0 $0x1C05  }
0xda: {  	[timem:s3], [sflag:s2] =	dma.local @!p0 [hbm:s0], s1  }
0xdb: {  	s0 =	simm.s32 @!p0 $0x5  }
0xdc: {  	_ =	swait.ge @!p0 [sflag:s0], s1  }
0xdd: {  	s1 =	ssub.s32 @!p0 $0x0, s1;
	[sflag:s0] =	ssyncset.done @!p0 $0x0  }
0xde: {  	[sflag:s0] =	ssyncadd.s32 @!p0 s1  }
0xdf: {  	[bflag:$0x3] =	sbarrier.arrive $0xFFFF  }
0xe0: {  	_ =	shalt  }

</sc_bundles>
